<compile_context>
chip_gen: v7x
topology: tpu7x:2x2x1
jax: 0.10.2.dev20260603
libtpu: 0.0.44.dev20260713+nightly
codegen_flags: <defaults>
</compile_context>

<pallas_src>
import functools

import jax
import jax.numpy as jnp
from jax import lax
from jax.experimental import pallas as pl
from jax.experimental.pallas import tpu as pltpu
from jax.experimental.pallas import tpu_sc as plsc

_NC = 2
_NS = 16
_NW = _NC * _NS
_CHUNK = 128
_EPS = 1e-5


def _sc_mesh():
    return plsc.VectorSubcoreMesh(
        core_axis_name="c", subcore_axis_name="s",
        num_cores=_NC, num_subcores=_NS)




def _deg_hist(didx, ones_h, zeros1, nacc, c_chunks):
    zr = nacc // _NS

    def body(didx_h, ones_hb, zeros_hb, deg_out, idx_v, ones_v, deg_sh):
        c = lax.axis_index("c")
        s = lax.axis_index("s")
        w = c * _NS + s
        pltpu.sync_copy(didx_h.at[w], idx_v)
        pltpu.sync_copy(ones_hb, ones_v)
        pltpu.sync_copy(zeros_hb.at[pl.ds(s * zr, zr)],
                        deg_sh.at[pl.ds(s * zr, zr)])
        plsc.subcore_barrier()

        def step(i, carry):
            pltpu.sync_copy(ones_v, deg_sh.at[idx_v.at[i]], add=True)
            return carry

        lax.fori_loop(0, c_chunks, step, 0)
        plsc.subcore_barrier()
        pltpu.sync_copy(deg_sh.at[pl.ds(s * zr, zr)],
                        deg_out.at[pl.ds(c * nacc + s * zr, zr)])

    return pl.kernel(
        body,
        out_type=jax.ShapeDtypeStruct((_NC * nacc,), jnp.float32),
        mesh=_sc_mesh(),
        scratch_types=[
            pltpu.VMEM((c_chunks, _CHUNK), jnp.int32),
            pltpu.VMEM((_CHUNK,), jnp.float32),
            pltpu.VMEM_SHARED((nacc,), jnp.float32),
        ],
    )(didx, ones_h, zeros1)


def _edge_scatter(hsrc, sidx, didx, zeros2, nacc, c_chunks, d):
    zr = nacc // _NS

    def body(h_hb, sidx_h, didx_h, zeros_hb, out_hb,
             sidx_v, didx_v, rows_v, acc_sh, sem):
        c = lax.axis_index("c")
        s = lax.axis_index("s")
        w = c * _NS + s
        pltpu.sync_copy(sidx_h.at[w], sidx_v)
        pltpu.sync_copy(didx_h.at[w], didx_v)
        pltpu.sync_copy(zeros_hb.at[pl.ds(s * zr, zr)],
                        acc_sh.at[pl.ds(s * zr, zr)])
        plsc.subcore_barrier()

        def step(i, carry):
            pltpu.async_copy(h_hb.at[sidx_v.at[i]], rows_v, sem).wait()
            pltpu.sync_copy(rows_v, acc_sh.at[didx_v.at[i]], add=True)
            return carry

        lax.fori_loop(0, c_chunks, step, 0)
        plsc.subcore_barrier()
        pltpu.sync_copy(acc_sh.at[pl.ds(s * zr, zr)],
                        out_hb.at[pl.ds(c * nacc + s * zr, zr)])

    return pl.kernel(
        body,
        out_type=jax.ShapeDtypeStruct((_NC * nacc, d), jnp.float32),
        mesh=_sc_mesh(),
        scratch_types=[
            pltpu.VMEM((c_chunks, _CHUNK), jnp.int32),
            pltpu.VMEM((c_chunks, _CHUNK), jnp.int32),
            pltpu.VMEM((_CHUNK, d), jnp.float32),
            pltpu.VMEM_SHARED((nacc, d), jnp.float32),
            pltpu.SemaphoreType.DMA,
        ],
    )(hsrc, sidx, didx, zeros2)




def _tc1_body(xp_ref, w1_ref, d0_ref, d1_ref, h1p_ref, dinv_ref):
    dinv = lax.rsqrt(1.0 + d0_ref[...] + d1_ref[...])
    h = jnp.dot(xp_ref[...], w1_ref[...], preferred_element_type=jnp.float32)
    h1p_ref[...] = h * dinv
    dinv_ref[...] = dinv


def _tc1(xp, w1, d0, d1, nacc, d_in, d_hid, br):
    grid = (nacc // br,)
    return pl.pallas_call(
        _tc1_body,
        grid=grid,
        in_specs=[
            pl.BlockSpec((br, d_in), lambda i: (i, 0)),
            pl.BlockSpec((d_in, d_hid), lambda i: (0, 0)),
            pl.BlockSpec((br, 1), lambda i: (i, 0)),
            pl.BlockSpec((br, 1), lambda i: (i, 0)),
        ],
        out_specs=[
            pl.BlockSpec((br, d_hid), lambda i: (i, 0)),
            pl.BlockSpec((br, 1), lambda i: (i, 0)),
        ],
        out_shape=[
            jax.ShapeDtypeStruct((nacc, d_hid), jnp.float32),
            jax.ShapeDtypeStruct((nacc, 1), jnp.float32),
        ],
    )(xp, w1, d0, d1)


def _tc2_body(a0_ref, a1_ref, h1p_ref, dinv_ref, w2_ref,
              b1_ref, g1_ref, be1_ref, m1_ref, v1_ref,
              x1_ref, h2p_ref):
    dinv = dinv_ref[...]
    s = dinv * (a0_ref[...] + a1_ref[...] + h1p_ref[...]) + b1_ref[...]
    scale = g1_ref[...] * lax.rsqrt(v1_ref[...] + _EPS)
    x1 = jnp.maximum((s - m1_ref[...]) * scale + be1_ref[...], 0.0)
    x1_ref[...] = x1
    h2 = jnp.dot(x1, w2_ref[...], preferred_element_type=jnp.float32)
    h2p_ref[...] = h2 * dinv


def _tc2(accp, h1p, dinv, w2, b1, g1, be1, m1, v1, nacc, d_hid, br):
    grid = (nacc // br,)
    vec = pl.BlockSpec((1, d_hid), lambda i: (0, 0))
    return pl.pallas_call(
        _tc2_body,
        grid=grid,
        in_specs=[
            pl.BlockSpec((None, br, d_hid), lambda i: (0, i, 0)),
            pl.BlockSpec((None, br, d_hid), lambda i: (1, i, 0)),
            pl.BlockSpec((br, d_hid), lambda i: (i, 0)),
            pl.BlockSpec((br, 1), lambda i: (i, 0)),
            pl.BlockSpec((d_hid, d_hid), lambda i: (0, 0)),
            vec, vec, vec, vec, vec,
        ],
        out_specs=[
            pl.BlockSpec((br, d_hid), lambda i: (i, 0)),
            pl.BlockSpec((br, d_hid), lambda i: (i, 0)),
        ],
        out_shape=[
            jax.ShapeDtypeStruct((nacc, d_hid), jnp.float32),
            jax.ShapeDtypeStruct((nacc, d_hid), jnp.float32),
        ],
    )(accp, accp, h1p, dinv, w2, b1, g1, be1, m1, v1)


def _tc3_body(a0_ref, a1_ref, h2p_ref, dinv_ref, x1_ref, wp_ref,
              b2_ref, bp_ref, out_ref):
    dinv = dinv_ref[...]
    x2 = dinv * (a0_ref[...] + a1_ref[...] + h2p_ref[...]) + b2_ref[...]
    j = jnp.maximum(x1_ref[...], x2)
    out_ref[...] = (jnp.dot(j, wp_ref[...], preferred_element_type=jnp.float32)
                    + bp_ref[...])


def _tc3(accp, h2p, dinv, x1, wp, b2, bp, n, d_hid, d_out, br):
    grid = (n // br,)
    return pl.pallas_call(
        _tc3_body,
        grid=grid,
        in_specs=[
            pl.BlockSpec((None, br, d_hid), lambda i: (0, i, 0)),
            pl.BlockSpec((None, br, d_hid), lambda i: (1, i, 0)),
            pl.BlockSpec((br, d_hid), lambda i: (i, 0)),
            pl.BlockSpec((br, 1), lambda i: (i, 0)),
            pl.BlockSpec((br, d_hid), lambda i: (i, 0)),
            pl.BlockSpec((d_hid, d_out), lambda i: (0, 0)),
            pl.BlockSpec((1, d_hid), lambda i: (0, 0)),
            pl.BlockSpec((1, d_out), lambda i: (0, 0)),
        ],
        out_specs=pl.BlockSpec((br, d_out), lambda i: (i, 0)),
        out_shape=jax.ShapeDtypeStruct((n, d_out), jnp.float32),
    )(accp, accp, h2p, dinv, x1, wp, b2, bp)




def kernel(x, edge_index, W1, b1, g1, be1, m1, v1, W2, b2, Wp, bp):
    n, d_in = x.shape
    d_hid = W1.shape[1]
    d_out = Wp.shape[1]
    e = edge_index.shape[1]

    zr16 = _NS * 8
    nacc = ((n + 16 + zr16 * _NS - 1) // (zr16 * _NS)) * (zr16 * _NS)
    c_chunks = -(-e // (_NW * _CHUNK))
    e_pad = _NW * c_chunks * _CHUNK

    pad = e_pad - e
    pad_idx = (n + (jnp.arange(pad, dtype=jnp.int32) % 16))
    srcp = jnp.concatenate([edge_index[0], pad_idx]).reshape(_NW, c_chunks, _CHUNK)
    dstp = jnp.concatenate([edge_index[1], pad_idx]).reshape(_NW, c_chunks, _CHUNK)

    zeros1 = jnp.zeros((nacc,), jnp.float32)
    zeros2 = jnp.zeros((nacc, d_hid), jnp.float32)
    ones_h = jnp.ones((_CHUNK,), jnp.float32)

    degp = _deg_hist(dstp, ones_h, zeros1, nacc, c_chunks)
    d0 = degp[:nacc].reshape(nacc, 1)
    d1 = degp[nacc:].reshape(nacc, 1)

    xp = jnp.pad(x, ((0, nacc - n), (0, 0)))
    br = nacc // 10
    h1p, dinv = _tc1(xp, W1, d0, d1, nacc, d_in, d_hid, br)

    acc1 = _edge_scatter(h1p, srcp, dstp, zeros2, nacc, c_chunks, d_hid)
    acc1 = acc1.reshape(_NC, nacc, d_hid)

    x1, h2p = _tc2(acc1, h1p, dinv, W2,
                   b1.reshape(1, d_hid), g1.reshape(1, d_hid),
                   be1.reshape(1, d_hid), m1.reshape(1, d_hid),
                   v1.reshape(1, d_hid), nacc, d_hid, br)

    acc2 = _edge_scatter(h2p, srcp, dstp, zeros2, nacc, c_chunks, d_hid)
    acc2 = acc2.reshape(_NC, nacc, d_hid)

    br3 = n // 10
    out = _tc3(acc2, h2p, dinv, x1, Wp,
               b2.reshape(1, d_hid), bp.reshape(1, d_out), n, d_hid, d_out, br3)
    return out

# --- scband reference (transcript-rebuilt; emitter-appended) ---
"""Pipeline reference for scband-gcnjk-7129645711840 (READ-ONLY COPY).

The authoritative reference and input builder live on the scoring server;
editing this copy changes nothing except your own understanding.
"""

import jax, jax.numpy as jnp
import numpy as np

N = 10000
E = 320000
D_IN = 128
D_HID = 128
D_OUT = 64


def gcn_conv(x, src, dst, W, b):
    n = x.shape[0]
    loop = jnp.arange(n, dtype=src.dtype)
    s = jnp.concatenate([src, loop])
    d = jnp.concatenate([dst, loop])
    deg = jnp.zeros((n,), x.dtype).at[d].add(1.0)
    dinv = jax.lax.rsqrt(deg)  # deg >= 1 due to self-loops
    norm = dinv[s] * dinv[d]
    h = x @ W
    msg = h[s] * norm[:, None]
    out = jnp.zeros((n, h.shape[1]), x.dtype).at[d].add(msg)
    return out + b


def batchnorm_eval(x, gamma, beta, mean, var, eps=1e-5):
    return gamma * (x - mean) * jax.lax.rsqrt(var + eps) + beta


def setup_inputs(seed: int = 0) -> dict:
    key = jax.random.key(seed)
    ks = jax.random.split(key, 12)
    x = jax.random.normal(ks[0], (N, D_IN), dtype=jnp.float32)
    edge_index = jax.random.randint(ks[1], (2, E), 0, N, dtype=jnp.int32)
    s1 = 1.0 / np.sqrt(D_IN)
    s2 = 1.0 / np.sqrt(D_HID)
    W1 = jax.random.uniform(ks[2], (D_IN, D_HID), jnp.float32, -s1, s1)
    b1 = jnp.zeros((D_HID,), jnp.float32)
    g1 = jnp.ones((D_HID,), jnp.float32)
    be1 = jnp.zeros((D_HID,), jnp.float32)
    m1 = jnp.zeros((D_HID,), jnp.float32)
    v1 = jnp.ones((D_HID,), jnp.float32)
    W2 = jax.random.uniform(ks[3], (D_HID, D_HID), jnp.float32, -s2, s2)
    b2 = jnp.zeros((D_HID,), jnp.float32)
    Wp = jax.random.uniform(ks[4], (D_HID, D_OUT), jnp.float32, -s2, s2)
    bp = jax.random.uniform(ks[5], (D_OUT,), jnp.float32, -s2, s2)
    return {"x": x, "edge_index": edge_index, "W1": W1, "b1": b1, "g1": g1, "be1": be1, "m1": m1, "v1": v1, "W2": W2, "b2": b2, "Wp": Wp, "bp": bp}


def reference(x, edge_index, W1, b1, g1, be1, m1, v1, W2, b2, Wp, bp):
    src = edge_index[0]
    dst = edge_index[1]
    h = gcn_conv(x, src, dst, W1, b1)
    h = batchnorm_eval(h, g1, be1, m1, v1)
    h = jax.nn.relu(h)
    x1 = h  # xs[0]; dropout is identity in eval mode
    x2 = gcn_conv(h, src, dst, W2, b2)  # xs[1]
    j = jnp.maximum(x1, x2)  # JumpingKnowledge 'max' over layer outputs
    out = j @ Wp + bp
    return out

if __name__ == "__main__":
    import jax
    _d = setup_inputs()
    print(jax.jit(kernel)(*tuple(_d.values())))

</pallas_src>

<mosaic_0001>
#map = affine_map<(d0, d1) -> (0, 0)>
#map1 = affine_map<(d0, d1) -> (0, 0, 0)>
module attributes {stable_mosaic.version = 14 : i64} {
  func.func @body(%arg0: i32, %arg1: i32, %arg2: memref<10240x128xf32, #tpu.memory_space<hbm>>, %arg3: memref<32x79x128xi32, #tpu.memory_space<hbm>>, %arg4: memref<32x79x128xi32, #tpu.memory_space<hbm>>, %arg5: memref<10240x128xf32, #tpu.memory_space<hbm>>, %arg6: memref<20480x128xf32, #tpu.memory_space<hbm>>, %arg7: memref<79x128xi32, #tpu.memory_space<vmem>>, %arg8: memref<79x128xi32, #tpu.memory_space<vmem>>, %arg9: memref<128x128xf32, #tpu.memory_space<vmem>>, %arg10: memref<10240x128xf32, #tpu.memory_space<vmem_shared>>, %arg11: memref<!tpu.dma_semaphore, #tpu.memory_space<semaphore_mem>>) attributes {dimension_semantics = [#tpu.dimension_semantics<core_parallel>, #tpu.dimension_semantics<subcore_parallel>], iteration_bounds = array<i64: 2, 16>, scalar_prefetch = 0 : i64, scratch_operands = 5 : i64, tpu.core_type = #tpu.core_type<sc_vector_subcore>, window_params = [{transform_indices = #map}, {transform_indices = #map1}, {transform_indices = #map1}, {transform_indices = #map}, {transform_indices = #map}]} {
    %mul3A = arith.constant 16 : i32
    %mul3A_0 = arith.muli %arg0, %mul3A : i32
    %add3A = arith.addi %mul3A_0, %arg1 : i32
    "tpu.region"() ({
      %run_scoped3A = tpu.sem_alloc : memref<!tpu.dma_semaphore, #tpu.memory_space<semaphore_mem>>
      %dma_start3A = arith.constant 0 : i32
      %dma_start3A_18 = arith.constant 0 : i32
      %dma_start3A_19 = tpu.memref_slice %arg3[%add3A, %dma_start3A, %dma_start3A_18] : memref<32x79x128xi32, #tpu.memory_space<hbm>> -> memref<1x79x128xi32, #tpu.memory_space<hbm>>
      %dma_start3A_20 = tpu.memref_squeeze %dma_start3A_19 : memref<1x79x128xi32, #tpu.memory_space<hbm>> -> memref<79x128xi32, #tpu.memory_space<hbm>>
      %dma_start3A_21 = arith.constant 0 : i32
      %dma_start3A_22 = arith.constant 0 : i32
      %dma_start3A_23 = tpu.memref_slice %arg3[%add3A, %dma_start3A_21, %dma_start3A_22] : memref<32x79x128xi32, #tpu.memory_space<hbm>> -> memref<1x79x128xi32, #tpu.memory_space<hbm>>
      %dma_start3A_24 = tpu.memref_squeeze %dma_start3A_23 : memref<1x79x128xi32, #tpu.memory_space<hbm>> -> memref<79x128xi32, #tpu.memory_space<hbm>>
      tpu.enqueue_dma source(%dma_start3A_24 : memref<79x128xi32, #tpu.memory_space<hbm>>) target(%arg7 : memref<79x128xi32, #tpu.memory_space<vmem>>) target_semaphore(%run_scoped3A : memref<!tpu.dma_semaphore, #tpu.memory_space<semaphore_mem>>)
      %dma_wait3A = arith.constant 0 : i32
      %dma_wait3A_25 = arith.constant 0 : i32
      %dma_wait3A_26 = tpu.memref_slice %arg3[%add3A, %dma_wait3A, %dma_wait3A_25] : memref<32x79x128xi32, #tpu.memory_space<hbm>> -> memref<1x79x128xi32, #tpu.memory_space<hbm>>
      %dma_wait3A_27 = tpu.memref_squeeze %dma_wait3A_26 : memref<1x79x128xi32, #tpu.memory_space<hbm>> -> memref<79x128xi32, #tpu.memory_space<hbm>>
      %dma_wait3A_28 = arith.constant 0 : i32
      %dma_wait3A_29 = arith.constant 0 : i32
      %dma_wait3A_30 = tpu.memref_slice %arg3[%add3A, %dma_wait3A_28, %dma_wait3A_29] : memref<32x79x128xi32, #tpu.memory_space<hbm>> -> memref<1x79x128xi32, #tpu.memory_space<hbm>>
      %dma_wait3A_31 = tpu.memref_squeeze %dma_wait3A_30 : memref<1x79x128xi32, #tpu.memory_space<hbm>> -> memref<79x128xi32, #tpu.memory_space<hbm>>
      tpu.wait_dma2 semaphore(%run_scoped3A : memref<!tpu.dma_semaphore, #tpu.memory_space<semaphore_mem>>) src(%dma_wait3A_31 : memref<79x128xi32, #tpu.memory_space<hbm>>) dst(%arg7 : memref<79x128xi32, #tpu.memory_space<vmem>>)
      tpu.yield
    }) : () -> ()
    "tpu.region"() ({
      %run_scoped3A = tpu.sem_alloc : memref<!tpu.dma_semaphore, #tpu.memory_space<semaphore_mem>>
      %dma_start3A = arith.constant 0 : i32
      %dma_start3A_18 = arith.constant 0 : i32
      %dma_start3A_19 = tpu.memref_slice %arg4[%add3A, %dma_start3A, %dma_start3A_18] : memref<32x79x128xi32, #tpu.memory_space<hbm>> -> memref<1x79x128xi32, #tpu.memory_space<hbm>>
      %dma_start3A_20 = tpu.memref_squeeze %dma_start3A_19 : memref<1x79x128xi32, #tpu.memory_space<hbm>> -> memref<79x128xi32, #tpu.memory_space<hbm>>
      %dma_start3A_21 = arith.constant 0 : i32
      %dma_start3A_22 = arith.constant 0 : i32
      %dma_start3A_23 = tpu.memref_slice %arg4[%add3A, %dma_start3A_21, %dma_start3A_22] : memref<32x79x128xi32, #tpu.memory_space<hbm>> -> memref<1x79x128xi32, #tpu.memory_space<hbm>>
      %dma_start3A_24 = tpu.memref_squeeze %dma_start3A_23 : memref<1x79x128xi32, #tpu.memory_space<hbm>> -> memref<79x128xi32, #tpu.memory_space<hbm>>
      tpu.enqueue_dma source(%dma_start3A_24 : memref<79x128xi32, #tpu.memory_space<hbm>>) target(%arg8 : memref<79x128xi32, #tpu.memory_space<vmem>>) target_semaphore(%run_scoped3A : memref<!tpu.dma_semaphore, #tpu.memory_space<semaphore_mem>>)
      %dma_wait3A = arith.constant 0 : i32
      %dma_wait3A_25 = arith.constant 0 : i32
      %dma_wait3A_26 = tpu.memref_slice %arg4[%add3A, %dma_wait3A, %dma_wait3A_25] : memref<32x79x128xi32, #tpu.memory_space<hbm>> -> memref<1x79x128xi32, #tpu.memory_space<hbm>>
      %dma_wait3A_27 = tpu.memref_squeeze %dma_wait3A_26 : memref<1x79x128xi32, #tpu.memory_space<hbm>> -> memref<79x128xi32, #tpu.memory_space<hbm>>
      %dma_wait3A_28 = arith.constant 0 : i32
      %dma_wait3A_29 = arith.constant 0 : i32
      %dma_wait3A_30 = tpu.memref_slice %arg4[%add3A, %dma_wait3A_28, %dma_wait3A_29] : memref<32x79x128xi32, #tpu.memory_space<hbm>> -> memref<1x79x128xi32, #tpu.memory_space<hbm>>
      %dma_wait3A_31 = tpu.memref_squeeze %dma_wait3A_30 : memref<1x79x128xi32, #tpu.memory_space<hbm>> -> memref<79x128xi32, #tpu.memory_space<hbm>>
      tpu.wait_dma2 semaphore(%run_scoped3A : memref<!tpu.dma_semaphore, #tpu.memory_space<semaphore_mem>>) src(%dma_wait3A_31 : memref<79x128xi32, #tpu.memory_space<hbm>>) dst(%arg8 : memref<79x128xi32, #tpu.memory_space<vmem>>)
      tpu.yield
    }) : () -> ()
    %mul3A_1 = arith.constant 640 : i32
    %mul3A_2 = arith.muli %arg1, %mul3A_1 : i32
    %mul3A_3 = arith.constant 640 : i32
    %mul3A_4 = arith.muli %arg1, %mul3A_3 : i32
    "tpu.region"() ({
      %run_scoped3A = tpu.sem_alloc : memref<!tpu.dma_semaphore, #tpu.memory_space<semaphore_mem>>
      %dma_start3A = arith.constant 0 : i32
      %dma_start3A_18 = tpu.memref_slice %arg10[%mul3A_4, %dma_start3A] : memref<10240x128xf32, #tpu.memory_space<vmem_shared>> -> memref<640x128xf32, #tpu.memory_space<vmem_shared>>
      %dma_start3A_19 = arith.constant 0 : i32
      %dma_start3A_20 = tpu.memref_slice %arg5[%mul3A_2, %dma_start3A_19] : memref<10240x128xf32, #tpu.memory_space<hbm>> -> memref<640x128xf32, #tpu.memory_space<hbm>>
      tpu.enqueue_dma source(%dma_start3A_20 : memref<640x128xf32, #tpu.memory_space<hbm>>) target(%dma_start3A_18 : memref<640x128xf32, #tpu.memory_space<vmem_shared>>) target_semaphore(%run_scoped3A : memref<!tpu.dma_semaphore, #tpu.memory_space<semaphore_mem>>)
      %dma_wait3A = arith.constant 0 : i32
      %dma_wait3A_21 = tpu.memref_slice %arg10[%mul3A_4, %dma_wait3A] : memref<10240x128xf32, #tpu.memory_space<vmem_shared>> -> memref<640x128xf32, #tpu.memory_space<vmem_shared>>
      %dma_wait3A_22 = arith.constant 0 : i32
      %dma_wait3A_23 = tpu.memref_slice %arg5[%mul3A_2, %dma_wait3A_22] : memref<10240x128xf32, #tpu.memory_space<hbm>> -> memref<640x128xf32, #tpu.memory_space<hbm>>
      tpu.wait_dma2 semaphore(%run_scoped3A : memref<!tpu.dma_semaphore, #tpu.memory_space<semaphore_mem>>) src(%dma_wait3A_23 : memref<640x128xf32, #tpu.memory_space<hbm>>) dst(%dma_wait3A_21 : memref<640x128xf32, #tpu.memory_space<vmem_shared>>)
      tpu.yield
    }) : () -> ()
    %barrier3A = arith.constant 0 : index
    tpu.barrier barrier_id(%barrier3A)
    %scan3A = arith.constant 0 : i32
    %scan3A_5 = arith.constant 0 : i32
    %scan3A_6 = arith.constant 79 : i32
    %scan3A_7 = arith.addi %scan3A_5, %scan3A_6 : i32
    %scan3A_8 = arith.constant 1 : i32
    scf.for %scan3A_18 = %scan3A_5 to %scan3A_7 step %scan3A_8  : i32 {
      %dma_start3A = arith.constant 0 : i32
      %dma_start3A_19 = tpu.memref_slice %arg7[%scan3A_18, %dma_start3A] : memref<79x128xi32, #tpu.memory_space<vmem>> -> memref<1x128xi32, #tpu.memory_space<vmem>>
      %dma_start3A_20 = tpu.memref_squeeze %dma_start3A_19 : memref<1x128xi32, #tpu.memory_space<vmem>> -> memref<128xi32, #tpu.memory_space<vmem>>
      %dma_start3A_21 = arith.constant 0 : i32
      %dma_start3A_22 = arith.constant 0 : i32
      %dma_start3A_23 = tpu.memref_slice %arg2[%dma_start3A_21, %dma_start3A_22] : memref<10240x128xf32, #tpu.memory_space<hbm>> -> memref<10240x128xf32, #tpu.memory_space<hbm>>
      tpu.enqueue_indirect_dma source(%dma_start3A_23 : memref<10240x128xf32, #tpu.memory_space<hbm>>) target(%arg9 : memref<128x128xf32, #tpu.memory_space<vmem>>) offsets(%dma_start3A_20 : memref<128xi32, #tpu.memory_space<vmem>>) semaphore(%arg11 : memref<!tpu.dma_semaphore, #tpu.memory_space<semaphore_mem>>)
      %dma_wait3A = arith.constant 0 : i32
      %dma_wait3A_24 = tpu.memref_slice %arg7[%scan3A_18, %dma_wait3A] : memref<79x128xi32, #tpu.memory_space<vmem>> -> memref<1x128xi32, #tpu.memory_space<vmem>>
      %dma_wait3A_25 = tpu.memref_squeeze %dma_wait3A_24 : memref<1x128xi32, #tpu.memory_space<vmem>> -> memref<128xi32, #tpu.memory_space<vmem>>
      %dma_wait3A_26 = arith.constant 0 : i32
      %dma_wait3A_27 = arith.constant 0 : i32
      %dma_wait3A_28 = tpu.memref_slice %arg2[%dma_wait3A_26, %dma_wait3A_27] : memref<10240x128xf32, #tpu.memory_space<hbm>> -> memref<10240x128xf32, #tpu.memory_space<hbm>>
      tpu.wait_indirect_dma semaphore(%arg11 : memref<!tpu.dma_semaphore, #tpu.memory_space<semaphore_mem>>) src(%dma_wait3A_28 : memref<10240x128xf32, #tpu.memory_space<hbm>>) dst(%arg9 : memref<128x128xf32, #tpu.memory_space<vmem>>)
      "tpu.region"() ({
        %run_scoped3A = tpu.sem_alloc : memref<!tpu.dma_semaphore, #tpu.memory_space<semaphore_mem>>
        %dma_start3A_29 = arith.constant 0 : i32
        %dma_start3A_30 = tpu.memref_slice %arg8[%scan3A_18, %dma_start3A_29] : memref<79x128xi32, #tpu.memory_space<vmem>> -> memref<1x128xi32, #tpu.memory_space<vmem>>
        %dma_start3A_31 = tpu.memref_squeeze %dma_start3A_30 : memref<1x128xi32, #tpu.memory_space<vmem>> -> memref<128xi32, #tpu.memory_space<vmem>>
        %dma_start3A_32 = arith.constant 0 : i32
        %dma_start3A_33 = arith.constant 0 : i32
        %dma_start3A_34 = tpu.memref_slice %arg10[%dma_start3A_32, %dma_start3A_33] : memref<10240x128xf32, #tpu.memory_space<vmem_shared>> -> memref<10240x128xf32, #tpu.memory_space<vmem_shared>>
        tpu.enqueue_indirect_dma source(%arg9 : memref<128x128xf32, #tpu.memory_space<vmem>>) target(%dma_start3A_34 : memref<10240x128xf32, #tpu.memory_space<vmem_shared>>) offsets(%dma_start3A_31 : memref<128xi32, #tpu.memory_space<vmem>>) semaphore(%run_scoped3A : memref<!tpu.dma_semaphore, #tpu.memory_space<semaphore_mem>>) {add = true}
        %dma_wait3A_35 = arith.constant 0 : i32
        %dma_wait3A_36 = tpu.memref_slice %arg8[%scan3A_18, %dma_wait3A_35] : memref<79x128xi32, #tpu.memory_space<vmem>> -> memref<1x128xi32, #tpu.memory_space<vmem>>
        %dma_wait3A_37 = tpu.memref_squeeze %dma_wait3A_36 : memref<1x128xi32, #tpu.memory_space<vmem>> -> memref<128xi32, #tpu.memory_space<vmem>>
        %dma_wait3A_38 = arith.constant 0 : i32
        %dma_wait3A_39 = arith.constant 0 : i32
        %dma_wait3A_40 = tpu.memref_slice %arg10[%dma_wait3A_38, %dma_wait3A_39] : memref<10240x128xf32, #tpu.memory_space<vmem_shared>> -> memref<10240x128xf32, #tpu.memory_space<vmem_shared>>
        tpu.wait_indirect_dma semaphore(%run_scoped3A : memref<!tpu.dma_semaphore, #tpu.memory_space<semaphore_mem>>) src(%arg9 : memref<128x128xf32, #tpu.memory_space<vmem>>) dst(%dma_wait3A_40 : memref<10240x128xf32, #tpu.memory_space<vmem_shared>>)
        tpu.yield
      }) : () -> ()
    }
    %scan3A_9 = arith.constant 79 : i32
    %barrier3A_10 = arith.constant 0 : index
    tpu.barrier barrier_id(%barrier3A_10)
    %mul3A_11 = arith.constant 640 : i32
    %mul3A_12 = arith.muli %arg1, %mul3A_11 : i32
    %mul3A_13 = arith.constant 10240 : i32
    %mul3A_14 = arith.muli %arg0, %mul3A_13 : i32
    %mul3A_15 = arith.constant 640 : i32
    %mul3A_16 = arith.muli %arg1, %mul3A_15 : i32
    %add3A_17 = arith.addi %mul3A_14, %mul3A_16 : i32
    "tpu.region"() ({
      %run_scoped3A = tpu.sem_alloc : memref<!tpu.dma_semaphore, #tpu.memory_space<semaphore_mem>>
      %dma_start3A = arith.constant 0 : i32
      %dma_start3A_18 = tpu.memref_slice %arg6[%add3A_17, %dma_start3A] : memref<20480x128xf32, #tpu.memory_space<hbm>> -> memref<640x128xf32, #tpu.memory_space<hbm>>
      %dma_start3A_19 = arith.constant 0 : i32
      %dma_start3A_20 = tpu.memref_slice %arg10[%mul3A_12, %dma_start3A_19] : memref<10240x128xf32, #tpu.memory_space<vmem_shared>> -> memref<640x128xf32, #tpu.memory_space<vmem_shared>>
      tpu.enqueue_dma source(%dma_start3A_20 : memref<640x128xf32, #tpu.memory_space<vmem_shared>>) target(%dma_start3A_18 : memref<640x128xf32, #tpu.memory_space<hbm>>) target_semaphore(%run_scoped3A : memref<!tpu.dma_semaphore, #tpu.memory_space<semaphore_mem>>)
      %dma_wait3A = arith.constant 0 : i32
      %dma_wait3A_21 = tpu.memref_slice %arg6[%add3A_17, %dma_wait3A] : memref<20480x128xf32, #tpu.memory_space<hbm>> -> memref<640x128xf32, #tpu.memory_space<hbm>>
      %dma_wait3A_22 = arith.constant 0 : i32
      %dma_wait3A_23 = tpu.memref_slice %arg10[%mul3A_12, %dma_wait3A_22] : memref<10240x128xf32, #tpu.memory_space<vmem_shared>> -> memref<640x128xf32, #tpu.memory_space<vmem_shared>>
      tpu.wait_dma2 semaphore(%run_scoped3A : memref<!tpu.dma_semaphore, #tpu.memory_space<semaphore_mem>>) src(%dma_wait3A_23 : memref<640x128xf32, #tpu.memory_space<vmem_shared>>) dst(%dma_wait3A_21 : memref<640x128xf32, #tpu.memory_space<hbm>>)
      tpu.yield
    }) : () -> ()
    return
  }
}

#map = affine_map<(d0, d1) -> (0, 0, 0)>
#map1 = affine_map<(d0, d1) -> (0)>
module attributes {stable_mosaic.version = 14 : i64} {
  func.func @body(%arg0: i32, %arg1: i32, %arg2: memref<32x79x128xi32, #tpu.memory_space<hbm>>, %arg3: memref<128xf32, #tpu.memory_space<hbm>>, %arg4: memref<10240xf32, #tpu.memory_space<hbm>>, %arg5: memref<20480xf32, #tpu.memory_space<hbm>>, %arg6: memref<79x128xi32, #tpu.memory_space<vmem>>, %arg7: memref<128xf32, #tpu.memory_space<vmem>>, %arg8: memref<10240xf32, #tpu.memory_space<vmem_shared>>) attributes {dimension_semantics = [#tpu.dimension_semantics<core_parallel>, #tpu.dimension_semantics<subcore_parallel>], iteration_bounds = array<i64: 2, 16>, scalar_prefetch = 0 : i64, scratch_operands = 3 : i64, tpu.core_type = #tpu.core_type<sc_vector_subcore>, window_params = [{transform_indices = #map}, {transform_indices = #map1}, {transform_indices = #map1}, {transform_indices = #map1}]} {
    %mul3A = arith.constant 16 : i32
    %mul3A_0 = arith.muli %arg0, %mul3A : i32
    %add3A = arith.addi %mul3A_0, %arg1 : i32
    "tpu.region"() ({
      %run_scoped3A = tpu.sem_alloc : memref<!tpu.dma_semaphore, #tpu.memory_space<semaphore_mem>>
      %dma_start3A = arith.constant 0 : i32
      %dma_start3A_18 = arith.constant 0 : i32
      %dma_start3A_19 = tpu.memref_slice %arg2[%add3A, %dma_start3A, %dma_start3A_18] : memref<32x79x128xi32, #tpu.memory_space<hbm>> -> memref<1x79x128xi32, #tpu.memory_space<hbm>>
      %dma_start3A_20 = tpu.memref_squeeze %dma_start3A_19 : memref<1x79x128xi32, #tpu.memory_space<hbm>> -> memref<79x128xi32, #tpu.memory_space<hbm>>
      %dma_start3A_21 = arith.constant 0 : i32
      %dma_start3A_22 = arith.constant 0 : i32
      %dma_start3A_23 = tpu.memref_slice %arg2[%add3A, %dma_start3A_21, %dma_start3A_22] : memref<32x79x128xi32, #tpu.memory_space<hbm>> -> memref<1x79x128xi32, #tpu.memory_space<hbm>>
      %dma_start3A_24 = tpu.memref_squeeze %dma_start3A_23 : memref<1x79x128xi32, #tpu.memory_space<hbm>> -> memref<79x128xi32, #tpu.memory_space<hbm>>
      tpu.enqueue_dma source(%dma_start3A_24 : memref<79x128xi32, #tpu.memory_space<hbm>>) target(%arg6 : memref<79x128xi32, #tpu.memory_space<vmem>>) target_semaphore(%run_scoped3A : memref<!tpu.dma_semaphore, #tpu.memory_space<semaphore_mem>>)
      %dma_wait3A = arith.constant 0 : i32
      %dma_wait3A_25 = arith.constant 0 : i32
      %dma_wait3A_26 = tpu.memref_slice %arg2[%add3A, %dma_wait3A, %dma_wait3A_25] : memref<32x79x128xi32, #tpu.memory_space<hbm>> -> memref<1x79x128xi32, #tpu.memory_space<hbm>>
      %dma_wait3A_27 = tpu.memref_squeeze %dma_wait3A_26 : memref<1x79x128xi32, #tpu.memory_space<hbm>> -> memref<79x128xi32, #tpu.memory_space<hbm>>
      %dma_wait3A_28 = arith.constant 0 : i32
      %dma_wait3A_29 = arith.constant 0 : i32
      %dma_wait3A_30 = tpu.memref_slice %arg2[%add3A, %dma_wait3A_28, %dma_wait3A_29] : memref<32x79x128xi32, #tpu.memory_space<hbm>> -> memref<1x79x128xi32, #tpu.memory_space<hbm>>
      %dma_wait3A_31 = tpu.memref_squeeze %dma_wait3A_30 : memref<1x79x128xi32, #tpu.memory_space<hbm>> -> memref<79x128xi32, #tpu.memory_space<hbm>>
      tpu.wait_dma2 semaphore(%run_scoped3A : memref<!tpu.dma_semaphore, #tpu.memory_space<semaphore_mem>>) src(%dma_wait3A_31 : memref<79x128xi32, #tpu.memory_space<hbm>>) dst(%arg6 : memref<79x128xi32, #tpu.memory_space<vmem>>)
      tpu.yield
    }) : () -> ()
    "tpu.region"() ({
      %run_scoped3A = tpu.sem_alloc : memref<!tpu.dma_semaphore, #tpu.memory_space<semaphore_mem>>
      tpu.enqueue_dma source(%arg3 : memref<128xf32, #tpu.memory_space<hbm>>) target(%arg7 : memref<128xf32, #tpu.memory_space<vmem>>) target_semaphore(%run_scoped3A : memref<!tpu.dma_semaphore, #tpu.memory_space<semaphore_mem>>)
      tpu.wait_dma2 semaphore(%run_scoped3A : memref<!tpu.dma_semaphore, #tpu.memory_space<semaphore_mem>>) src(%arg3 : memref<128xf32, #tpu.memory_space<hbm>>) dst(%arg7 : memref<128xf32, #tpu.memory_space<vmem>>)
      tpu.yield
    }) : () -> ()
    %mul3A_1 = arith.constant 640 : i32
    %mul3A_2 = arith.muli %arg1, %mul3A_1 : i32
    %mul3A_3 = arith.constant 640 : i32
    %mul3A_4 = arith.muli %arg1, %mul3A_3 : i32
    "tpu.region"() ({
      %run_scoped3A = tpu.sem_alloc : memref<!tpu.dma_semaphore, #tpu.memory_space<semaphore_mem>>
      %dma_start3A = tpu.memref_slice %arg8[%mul3A_4] : memref<10240xf32, #tpu.memory_space<vmem_shared>> -> memref<640xf32, #tpu.memory_space<vmem_shared>>
      %dma_start3A_18 = tpu.memref_slice %arg4[%mul3A_2] : memref<10240xf32, #tpu.memory_space<hbm>> -> memref<640xf32, #tpu.memory_space<hbm>>
      tpu.enqueue_dma source(%dma_start3A_18 : memref<640xf32, #tpu.memory_space<hbm>>) target(%dma_start3A : memref<640xf32, #tpu.memory_space<vmem_shared>>) target_semaphore(%run_scoped3A : memref<!tpu.dma_semaphore, #tpu.memory_space<semaphore_mem>>)
      %dma_wait3A = tpu.memref_slice %arg8[%mul3A_4] : memref<10240xf32, #tpu.memory_space<vmem_shared>> -> memref<640xf32, #tpu.memory_space<vmem_shared>>
      %dma_wait3A_19 = tpu.memref_slice %arg4[%mul3A_2] : memref<10240xf32, #tpu.memory_space<hbm>> -> memref<640xf32, #tpu.memory_space<hbm>>
      tpu.wait_dma2 semaphore(%run_scoped3A : memref<!tpu.dma_semaphore, #tpu.memory_space<semaphore_mem>>) src(%dma_wait3A_19 : memref<640xf32, #tpu.memory_space<hbm>>) dst(%dma_wait3A : memref<640xf32, #tpu.memory_space<vmem_shared>>)
      tpu.yield
    }) : () -> ()
    %barrier3A = arith.constant 0 : index
    tpu.barrier barrier_id(%barrier3A)
    %scan3A = arith.constant 0 : i32
    %scan3A_5 = arith.constant 0 : i32
    %scan3A_6 = arith.constant 79 : i32
    %scan3A_7 = arith.addi %scan3A_5, %scan3A_6 : i32
    %scan3A_8 = arith.constant 1 : i32
    scf.for %scan3A_18 = %scan3A_5 to %scan3A_7 step %scan3A_8  : i32 {
      "tpu.region"() ({
        %run_scoped3A = tpu.sem_alloc : memref<!tpu.dma_semaphore, #tpu.memory_space<semaphore_mem>>
        %dma_start3A = arith.constant 0 : i32
        %dma_start3A_19 = tpu.memref_slice %arg6[%scan3A_18, %dma_start3A] : memref<79x128xi32, #tpu.memory_space<vmem>> -> memref<1x128xi32, #tpu.memory_space<vmem>>
        %dma_start3A_20 = tpu.memref_squeeze %dma_start3A_19 : memref<1x128xi32, #tpu.memory_space<vmem>> -> memref<128xi32, #tpu.memory_space<vmem>>
        %dma_start3A_21 = arith.constant 0 : i32
        %dma_start3A_22 = tpu.memref_slice %arg8[%dma_start3A_21] : memref<10240xf32, #tpu.memory_space<vmem_shared>> -> memref<10240xf32, #tpu.memory_space<vmem_shared>>
        tpu.enqueue_indirect_dma source(%arg7 : memref<128xf32, #tpu.memory_space<vmem>>) target(%dma_start3A_22 : memref<10240xf32, #tpu.memory_space<vmem_shared>>) offsets(%dma_start3A_20 : memref<128xi32, #tpu.memory_space<vmem>>) semaphore(%run_scoped3A : memref<!tpu.dma_semaphore, #tpu.memory_space<semaphore_mem>>) {add = true}
        %dma_wait3A = arith.constant 0 : i32
        %dma_wait3A_23 = tpu.memref_slice %arg6[%scan3A_18, %dma_wait3A] : memref<79x128xi32, #tpu.memory_space<vmem>> -> memref<1x128xi32, #tpu.memory_space<vmem>>
        %dma_wait3A_24 = tpu.memref_squeeze %dma_wait3A_23 : memref<1x128xi32, #tpu.memory_space<vmem>> -> memref<128xi32, #tpu.memory_space<vmem>>
        %dma_wait3A_25 = arith.constant 0 : i32
        %dma_wait3A_26 = tpu.memref_slice %arg8[%dma_wait3A_25] : memref<10240xf32, #tpu.memory_space<vmem_shared>> -> memref<10240xf32, #tpu.memory_space<vmem_shared>>
        tpu.wait_indirect_dma semaphore(%run_scoped3A : memref<!tpu.dma_semaphore, #tpu.memory_space<semaphore_mem>>) src(%arg7 : memref<128xf32, #tpu.memory_space<vmem>>) dst(%dma_wait3A_26 : memref<10240xf32, #tpu.memory_space<vmem_shared>>)
        tpu.yield
      }) : () -> ()
    }
    %scan3A_9 = arith.constant 79 : i32
    %barrier3A_10 = arith.constant 0 : index
    tpu.barrier barrier_id(%barrier3A_10)
    %mul3A_11 = arith.constant 640 : i32
    %mul3A_12 = arith.muli %arg1, %mul3A_11 : i32
    %mul3A_13 = arith.constant 10240 : i32
    %mul3A_14 = arith.muli %arg0, %mul3A_13 : i32
    %mul3A_15 = arith.constant 640 : i32
    %mul3A_16 = arith.muli %arg1, %mul3A_15 : i32
    %add3A_17 = arith.addi %mul3A_14, %mul3A_16 : i32
    "tpu.region"() ({
      %run_scoped3A = tpu.sem_alloc : memref<!tpu.dma_semaphore, #tpu.memory_space<semaphore_mem>>
      %dma_start3A = tpu.memref_slice %arg5[%add3A_17] : memref<20480xf32, #tpu.memory_space<hbm>> -> memref<640xf32, #tpu.memory_space<hbm>>
      %dma_start3A_18 = tpu.memref_slice %arg8[%mul3A_12] : memref<10240xf32, #tpu.memory_space<vmem_shared>> -> memref<640xf32, #tpu.memory_space<vmem_shared>>
      tpu.enqueue_dma source(%dma_start3A_18 : memref<640xf32, #tpu.memory_space<vmem_shared>>) target(%dma_start3A : memref<640xf32, #tpu.memory_space<hbm>>) target_semaphore(%run_scoped3A : memref<!tpu.dma_semaphore, #tpu.memory_space<semaphore_mem>>)
      %dma_wait3A = tpu.memref_slice %arg5[%add3A_17] : memref<20480xf32, #tpu.memory_space<hbm>> -> memref<640xf32, #tpu.memory_space<hbm>>
      %dma_wait3A_19 = tpu.memref_slice %arg8[%mul3A_12] : memref<10240xf32, #tpu.memory_space<vmem_shared>> -> memref<640xf32, #tpu.memory_space<vmem_shared>>
      tpu.wait_dma2 semaphore(%run_scoped3A : memref<!tpu.dma_semaphore, #tpu.memory_space<semaphore_mem>>) src(%dma_wait3A_19 : memref<640xf32, #tpu.memory_space<vmem_shared>>) dst(%dma_wait3A : memref<640xf32, #tpu.memory_space<hbm>>)
      tpu.yield
    }) : () -> ()
    return
  }
}

#map = affine_map<(d0, d1) -> (0, 0)>
#map1 = affine_map<(d0, d1) -> (0, 0, 0)>
module attributes {stable_mosaic.version = 14 : i64} {
  func.func @body(%arg0: i32, %arg1: i32, %arg2: memref<10240x128xf32, #tpu.memory_space<hbm>>, %arg3: memref<32x79x128xi32, #tpu.memory_space<hbm>>, %arg4: memref<32x79x128xi32, #tpu.memory_space<hbm>>, %arg5: memref<10240x128xf32, #tpu.memory_space<hbm>>, %arg6: memref<20480x128xf32, #tpu.memory_space<hbm>>, %arg7: memref<79x128xi32, #tpu.memory_space<vmem>>, %arg8: memref<79x128xi32, #tpu.memory_space<vmem>>, %arg9: memref<128x128xf32, #tpu.memory_space<vmem>>, %arg10: memref<10240x128xf32, #tpu.memory_space<vmem_shared>>, %arg11: memref<!tpu.dma_semaphore, #tpu.memory_space<semaphore_mem>>) attributes {dimension_semantics = [#tpu.dimension_semantics<core_parallel>, #tpu.dimension_semantics<subcore_parallel>], iteration_bounds = array<i64: 2, 16>, scalar_prefetch = 0 : i64, scratch_operands = 5 : i64, tpu.core_type = #tpu.core_type<sc_vector_subcore>, window_params = [{transform_indices = #map}, {transform_indices = #map1}, {transform_indices = #map1}, {transform_indices = #map}, {transform_indices = #map}]} {
    %mul3A = arith.constant 16 : i32
    %mul3A_0 = arith.muli %arg0, %mul3A : i32
    %add3A = arith.addi %mul3A_0, %arg1 : i32
    "tpu.region"() ({
      %run_scoped3A = tpu.sem_alloc : memref<!tpu.dma_semaphore, #tpu.memory_space<semaphore_mem>>
      %dma_start3A = arith.constant 0 : i32
      %dma_start3A_18 = arith.constant 0 : i32
      %dma_start3A_19 = tpu.memref_slice %arg3[%add3A, %dma_start3A, %dma_start3A_18] : memref<32x79x128xi32, #tpu.memory_space<hbm>> -> memref<1x79x128xi32, #tpu.memory_space<hbm>>
      %dma_start3A_20 = tpu.memref_squeeze %dma_start3A_19 : memref<1x79x128xi32, #tpu.memory_space<hbm>> -> memref<79x128xi32, #tpu.memory_space<hbm>>
      %dma_start3A_21 = arith.constant 0 : i32
      %dma_start3A_22 = arith.constant 0 : i32
      %dma_start3A_23 = tpu.memref_slice %arg3[%add3A, %dma_start3A_21, %dma_start3A_22] : memref<32x79x128xi32, #tpu.memory_space<hbm>> -> memref<1x79x128xi32, #tpu.memory_space<hbm>>
      %dma_start3A_24 = tpu.memref_squeeze %dma_start3A_23 : memref<1x79x128xi32, #tpu.memory_space<hbm>> -> memref<79x128xi32, #tpu.memory_space<hbm>>
      tpu.enqueue_dma source(%dma_start3A_24 : memref<79x128xi32, #tpu.memory_space<hbm>>) target(%arg7 : memref<79x128xi32, #tpu.memory_space<vmem>>) target_semaphore(%run_scoped3A : memref<!tpu.dma_semaphore, #tpu.memory_space<semaphore_mem>>)
      %dma_wait3A = arith.constant 0 : i32
      %dma_wait3A_25 = arith.constant 0 : i32
      %dma_wait3A_26 = tpu.memref_slice %arg3[%add3A, %dma_wait3A, %dma_wait3A_25] : memref<32x79x128xi32, #tpu.memory_space<hbm>> -> memref<1x79x128xi32, #tpu.memory_space<hbm>>
      %dma_wait3A_27 = tpu.memref_squeeze %dma_wait3A_26 : memref<1x79x128xi32, #tpu.memory_space<hbm>> -> memref<79x128xi32, #tpu.memory_space<hbm>>
      %dma_wait3A_28 = arith.constant 0 : i32
      %dma_wait3A_29 = arith.constant 0 : i32
      %dma_wait3A_30 = tpu.memref_slice %arg3[%add3A, %dma_wait3A_28, %dma_wait3A_29] : memref<32x79x128xi32, #tpu.memory_space<hbm>> -> memref<1x79x128xi32, #tpu.memory_space<hbm>>
      %dma_wait3A_31 = tpu.memref_squeeze %dma_wait3A_30 : memref<1x79x128xi32, #tpu.memory_space<hbm>> -> memref<79x128xi32, #tpu.memory_space<hbm>>
      tpu.wait_dma2 semaphore(%run_scoped3A : memref<!tpu.dma_semaphore, #tpu.memory_space<semaphore_mem>>) src(%dma_wait3A_31 : memref<79x128xi32, #tpu.memory_space<hbm>>) dst(%arg7 : memref<79x128xi32, #tpu.memory_space<vmem>>)
      tpu.yield
    }) : () -> ()
    "tpu.region"() ({
      %run_scoped3A = tpu.sem_alloc : memref<!tpu.dma_semaphore, #tpu.memory_space<semaphore_mem>>
      %dma_start3A = arith.constant 0 : i32
      %dma_start3A_18 = arith.constant 0 : i32
      %dma_start3A_19 = tpu.memref_slice %arg4[%add3A, %dma_start3A, %dma_start3A_18] : memref<32x79x128xi32, #tpu.memory_space<hbm>> -> memref<1x79x128xi32, #tpu.memory_space<hbm>>
      %dma_start3A_20 = tpu.memref_squeeze %dma_start3A_19 : memref<1x79x128xi32, #tpu.memory_space<hbm>> -> memref<79x128xi32, #tpu.memory_space<hbm>>
      %dma_start3A_21 = arith.constant 0 : i32
      %dma_start3A_22 = arith.constant 0 : i32
      %dma_start3A_23 = tpu.memref_slice %arg4[%add3A, %dma_start3A_21, %dma_start3A_22] : memref<32x79x128xi32, #tpu.memory_space<hbm>> -> memref<1x79x128xi32, #tpu.memory_space<hbm>>
      %dma_start3A_24 = tpu.memref_squeeze %dma_start3A_23 : memref<1x79x128xi32, #tpu.memory_space<hbm>> -> memref<79x128xi32, #tpu.memory_space<hbm>>
      tpu.enqueue_dma source(%dma_start3A_24 : memref<79x128xi32, #tpu.memory_space<hbm>>) target(%arg8 : memref<79x128xi32, #tpu.memory_space<vmem>>) target_semaphore(%run_scoped3A : memref<!tpu.dma_semaphore, #tpu.memory_space<semaphore_mem>>)
      %dma_wait3A = arith.constant 0 : i32
      %dma_wait3A_25 = arith.constant 0 : i32
      %dma_wait3A_26 = tpu.memref_slice %arg4[%add3A, %dma_wait3A, %dma_wait3A_25] : memref<32x79x128xi32, #tpu.memory_space<hbm>> -> memref<1x79x128xi32, #tpu.memory_space<hbm>>
      %dma_wait3A_27 = tpu.memref_squeeze %dma_wait3A_26 : memref<1x79x128xi32, #tpu.memory_space<hbm>> -> memref<79x128xi32, #tpu.memory_space<hbm>>
      %dma_wait3A_28 = arith.constant 0 : i32
      %dma_wait3A_29 = arith.constant 0 : i32
      %dma_wait3A_30 = tpu.memref_slice %arg4[%add3A, %dma_wait3A_28, %dma_wait3A_29] : memref<32x79x128xi32, #tpu.memory_space<hbm>> -> memref<1x79x128xi32, #tpu.memory_space<hbm>>
      %dma_wait3A_31 = tpu.memref_squeeze %dma_wait3A_30 : memref<1x79x128xi32, #tpu.memory_space<hbm>> -> memref<79x128xi32, #tpu.memory_space<hbm>>
      tpu.wait_dma2 semaphore(%run_scoped3A : memref<!tpu.dma_semaphore, #tpu.memory_space<semaphore_mem>>) src(%dma_wait3A_31 : memref<79x128xi32, #tpu.memory_space<hbm>>) dst(%arg8 : memref<79x128xi32, #tpu.memory_space<vmem>>)
      tpu.yield
    }) : () -> ()
    %mul3A_1 = arith.constant 640 : i32
    %mul3A_2 = arith.muli %arg1, %mul3A_1 : i32
    %mul3A_3 = arith.constant 640 : i32
    %mul3A_4 = arith.muli %arg1, %mul3A_3 : i32
    "tpu.region"() ({
      %run_scoped3A = tpu.sem_alloc : memref<!tpu.dma_semaphore, #tpu.memory_space<semaphore_mem>>
      %dma_start3A = arith.constant 0 : i32
      %dma_start3A_18 = tpu.memref_slice %arg10[%mul3A_4, %dma_start3A] : memref<10240x128xf32, #tpu.memory_space<vmem_shared>> -> memref<640x128xf32, #tpu.memory_space<vmem_shared>>
      %dma_start3A_19 = arith.constant 0 : i32
      %dma_start3A_20 = tpu.memref_slice %arg5[%mul3A_2, %dma_start3A_19] : memref<10240x128xf32, #tpu.memory_space<hbm>> -> memref<640x128xf32, #tpu.memory_space<hbm>>
      tpu.enqueue_dma source(%dma_start3A_20 : memref<640x128xf32, #tpu.memory_space<hbm>>) target(%dma_start3A_18 : memref<640x128xf32, #tpu.memory_space<vmem_shared>>) target_semaphore(%run_scoped3A : memref<!tpu.dma_semaphore, #tpu.memory_space<semaphore_mem>>)
      %dma_wait3A = arith.constant 0 : i32
      %dma_wait3A_21 = tpu.memref_slice %arg10[%mul3A_4, %dma_wait3A] : memref<10240x128xf32, #tpu.memory_space<vmem_shared>> -> memref<640x128xf32, #tpu.memory_space<vmem_shared>>
      %dma_wait3A_22 = arith.constant 0 : i32
      %dma_wait3A_23 = tpu.memref_slice %arg5[%mul3A_2, %dma_wait3A_22] : memref<10240x128xf32, #tpu.memory_space<hbm>> -> memref<640x128xf32, #tpu.memory_space<hbm>>
      tpu.wait_dma2 semaphore(%run_scoped3A : memref<!tpu.dma_semaphore, #tpu.memory_space<semaphore_mem>>) src(%dma_wait3A_23 : memref<640x128xf32, #tpu.memory_space<hbm>>) dst(%dma_wait3A_21 : memref<640x128xf32, #tpu.memory_space<vmem_shared>>)
      tpu.yield
    }) : () -> ()
    %barrier3A = arith.constant 0 : index
    tpu.barrier barrier_id(%barrier3A)
    %scan3A = arith.constant 0 : i32
    %scan3A_5 = arith.constant 0 : i32
    %scan3A_6 = arith.constant 79 : i32
    %scan3A_7 = arith.addi %scan3A_5, %scan3A_6 : i32
    %scan3A_8 = arith.constant 1 : i32
    scf.for %scan3A_18 = %scan3A_5 to %scan3A_7 step %scan3A_8  : i32 {
      %dma_start3A = arith.constant 0 : i32
      %dma_start3A_19 = tpu.memref_slice %arg7[%scan3A_18, %dma_start3A] : memref<79x128xi32, #tpu.memory_space<vmem>> -> memref<1x128xi32, #tpu.memory_space<vmem>>
      %dma_start3A_20 = tpu.memref_squeeze %dma_start3A_19 : memref<1x128xi32, #tpu.memory_space<vmem>> -> memref<128xi32, #tpu.memory_space<vmem>>
      %dma_start3A_21 = arith.constant 0 : i32
      %dma_start3A_22 = arith.constant 0 : i32
      %dma_start3A_23 = tpu.memref_slice %arg2[%dma_start3A_21, %dma_start3A_22] : memref<10240x128xf32, #tpu.memory_space<hbm>> -> memref<10240x128xf32, #tpu.memory_space<hbm>>
      tpu.enqueue_indirect_dma source(%dma_start3A_23 : memref<10240x128xf32, #tpu.memory_space<hbm>>) target(%arg9 : memref<128x128xf32, #tpu.memory_space<vmem>>) offsets(%dma_start3A_20 : memref<128xi32, #tpu.memory_space<vmem>>) semaphore(%arg11 : memref<!tpu.dma_semaphore, #tpu.memory_space<semaphore_mem>>)
      %dma_wait3A = arith.constant 0 : i32
      %dma_wait3A_24 = tpu.memref_slice %arg7[%scan3A_18, %dma_wait3A] : memref<79x128xi32, #tpu.memory_space<vmem>> -> memref<1x128xi32, #tpu.memory_space<vmem>>
      %dma_wait3A_25 = tpu.memref_squeeze %dma_wait3A_24 : memref<1x128xi32, #tpu.memory_space<vmem>> -> memref<128xi32, #tpu.memory_space<vmem>>
      %dma_wait3A_26 = arith.constant 0 : i32
      %dma_wait3A_27 = arith.constant 0 : i32
      %dma_wait3A_28 = tpu.memref_slice %arg2[%dma_wait3A_26, %dma_wait3A_27] : memref<10240x128xf32, #tpu.memory_space<hbm>> -> memref<10240x128xf32, #tpu.memory_space<hbm>>
      tpu.wait_indirect_dma semaphore(%arg11 : memref<!tpu.dma_semaphore, #tpu.memory_space<semaphore_mem>>) src(%dma_wait3A_28 : memref<10240x128xf32, #tpu.memory_space<hbm>>) dst(%arg9 : memref<128x128xf32, #tpu.memory_space<vmem>>)
      "tpu.region"() ({
        %run_scoped3A = tpu.sem_alloc : memref<!tpu.dma_semaphore, #tpu.memory_space<semaphore_mem>>
        %dma_start3A_29 = arith.constant 0 : i32
        %dma_start3A_30 = tpu.memref_slice %arg8[%scan3A_18, %dma_start3A_29] : memref<79x128xi32, #tpu.memory_space<vmem>> -> memref<1x128xi32, #tpu.memory_space<vmem>>
        %dma_start3A_31 = tpu.memref_squeeze %dma_start3A_30 : memref<1x128xi32, #tpu.memory_space<vmem>> -> memref<128xi32, #tpu.memory_space<vmem>>
        %dma_start3A_32 = arith.constant 0 : i32
        %dma_start3A_33 = arith.constant 0 : i32
        %dma_start3A_34 = tpu.memref_slice %arg10[%dma_start3A_32, %dma_start3A_33] : memref<10240x128xf32, #tpu.memory_space<vmem_shared>> -> memref<10240x128xf32, #tpu.memory_space<vmem_shared>>
        tpu.enqueue_indirect_dma source(%arg9 : memref<128x128xf32, #tpu.memory_space<vmem>>) target(%dma_start3A_34 : memref<10240x128xf32, #tpu.memory_space<vmem_shared>>) offsets(%dma_start3A_31 : memref<128xi32, #tpu.memory_space<vmem>>) semaphore(%run_scoped3A : memref<!tpu.dma_semaphore, #tpu.memory_space<semaphore_mem>>) {add = true}
        %dma_wait3A_35 = arith.constant 0 : i32
        %dma_wait3A_36 = tpu.memref_slice %arg8[%scan3A_18, %dma_wait3A_35] : memref<79x128xi32, #tpu.memory_space<vmem>> -> memref<1x128xi32, #tpu.memory_space<vmem>>
        %dma_wait3A_37 = tpu.memref_squeeze %dma_wait3A_36 : memref<1x128xi32, #tpu.memory_space<vmem>> -> memref<128xi32, #tpu.memory_space<vmem>>
        %dma_wait3A_38 = arith.constant 0 : i32
        %dma_wait3A_39 = arith.constant 0 : i32
        %dma_wait3A_40 = tpu.memref_slice %arg10[%dma_wait3A_38, %dma_wait3A_39] : memref<10240x128xf32, #tpu.memory_space<vmem_shared>> -> memref<10240x128xf32, #tpu.memory_space<vmem_shared>>
        tpu.wait_indirect_dma semaphore(%run_scoped3A : memref<!tpu.dma_semaphore, #tpu.memory_space<semaphore_mem>>) src(%arg9 : memref<128x128xf32, #tpu.memory_space<vmem>>) dst(%dma_wait3A_40 : memref<10240x128xf32, #tpu.memory_space<vmem_shared>>)
        tpu.yield
      }) : () -> ()
    }
    %scan3A_9 = arith.constant 79 : i32
    %barrier3A_10 = arith.constant 0 : index
    tpu.barrier barrier_id(%barrier3A_10)
    %mul3A_11 = arith.constant 640 : i32
    %mul3A_12 = arith.muli %arg1, %mul3A_11 : i32
    %mul3A_13 = arith.constant 10240 : i32
    %mul3A_14 = arith.muli %arg0, %mul3A_13 : i32
    %mul3A_15 = arith.constant 640 : i32
    %mul3A_16 = arith.muli %arg1, %mul3A_15 : i32
    %add3A_17 = arith.addi %mul3A_14, %mul3A_16 : i32
    "tpu.region"() ({
      %run_scoped3A = tpu.sem_alloc : memref<!tpu.dma_semaphore, #tpu.memory_space<semaphore_mem>>
      %dma_start3A = arith.constant 0 : i32
      %dma_start3A_18 = tpu.memref_slice %arg6[%add3A_17, %dma_start3A] : memref<20480x128xf32, #tpu.memory_space<hbm>> -> memref<640x128xf32, #tpu.memory_space<hbm>>
      %dma_start3A_19 = arith.constant 0 : i32
      %dma_start3A_20 = tpu.memref_slice %arg10[%mul3A_12, %dma_start3A_19] : memref<10240x128xf32, #tpu.memory_space<vmem_shared>> -> memref<640x128xf32, #tpu.memory_space<vmem_shared>>
      tpu.enqueue_dma source(%dma_start3A_20 : memref<640x128xf32, #tpu.memory_space<vmem_shared>>) target(%dma_start3A_18 : memref<640x128xf32, #tpu.memory_space<hbm>>) target_semaphore(%run_scoped3A : memref<!tpu.dma_semaphore, #tpu.memory_space<semaphore_mem>>)
      %dma_wait3A = arith.constant 0 : i32
      %dma_wait3A_21 = tpu.memref_slice %arg6[%add3A_17, %dma_wait3A] : memref<20480x128xf32, #tpu.memory_space<hbm>> -> memref<640x128xf32, #tpu.memory_space<hbm>>
      %dma_wait3A_22 = arith.constant 0 : i32
      %dma_wait3A_23 = tpu.memref_slice %arg10[%mul3A_12, %dma_wait3A_22] : memref<10240x128xf32, #tpu.memory_space<vmem_shared>> -> memref<640x128xf32, #tpu.memory_space<vmem_shared>>
      tpu.wait_dma2 semaphore(%run_scoped3A : memref<!tpu.dma_semaphore, #tpu.memory_space<semaphore_mem>>) src(%dma_wait3A_23 : memref<640x128xf32, #tpu.memory_space<vmem_shared>>) dst(%dma_wait3A_21 : memref<640x128xf32, #tpu.memory_space<hbm>>)
      tpu.yield
    }) : () -> ()
    return
  }
}

module attributes {stable_mosaic.version = 14 : i64} {
  func.func @_tc1_body(%arg0: i32, %arg1: memref<1024x128xf32, #tpu.memory_space<vmem>>, %arg2: memref<128x128xf32, #tpu.memory_space<vmem>>, %arg3: memref<1024x1xf32, #tpu.memory_space<vmem>>, %arg4: memref<1024x1xf32, #tpu.memory_space<vmem>>, %arg5: memref<1024x128xf32, #tpu.memory_space<vmem>>, %arg6: memref<1024x1xf32, #tpu.memory_space<vmem>>) attributes {dimension_semantics = [#tpu.dimension_semantics<arbitrary>], iteration_bounds = array<i64: 10>, scalar_prefetch = 0 : i64, scratch_operands = 0 : i64, tpu.core_type = #tpu.core_type<tc>, window_params = [{transform_indices = @transform_0, window_bounds = array<i64: 1024, 128>}, {pipeline_mode = #tpu.pipeline_mode<synchronous>, transform_indices = @transform_1, window_bounds = array<i64: 128, 128>}, {transform_indices = @transform_2, window_bounds = array<i64: 1024, 1>}, {transform_indices = @transform_3, window_bounds = array<i64: 1024, 1>}, {transform_indices = @transform_4, window_bounds = array<i64: 1024, 128>}, {transform_indices = @transform_5, window_bounds = array<i64: 1024, 1>}]} {
    %get3A = arith.constant 0 : index
    %get3A_0 = arith.constant 0 : index
    %get3A_1 = vector.load %arg3[%get3A, %get3A_0] : memref<1024x1xf32, #tpu.memory_space<vmem>>, vector<1024x1xf32>
    %add3A = arith.constant 1.000000e+00 : f32
    %add3A_2 = vector.broadcast %add3A : f32 to vector<1024x1xf32>
    %add3A_3 = arith.addf %add3A_2, %get3A_1 : vector<1024x1xf32>
    %get3A_4 = arith.constant 0 : index
    %get3A_5 = arith.constant 0 : index
    %get3A_6 = vector.load %arg4[%get3A_4, %get3A_5] : memref<1024x1xf32, #tpu.memory_space<vmem>>, vector<1024x1xf32>
    %add3A_7 = arith.addf %add3A_3, %get3A_6 : vector<1024x1xf32>
    %rsqrt3A = math.rsqrt %add3A_7 : vector<1024x1xf32>
    %get3A_8 = arith.constant 0 : index
    %get3A_9 = arith.constant 0 : index
    %get3A_10 = vector.load %arg1[%get3A_8, %get3A_9] : memref<1024x128xf32, #tpu.memory_space<vmem>>, vector<1024x128xf32>
    %get3A_11 = arith.constant 0 : index
    %get3A_12 = arith.constant 0 : index
    %get3A_13 = vector.load %arg2[%get3A_11, %get3A_12] : memref<128x128xf32, #tpu.memory_space<vmem>>, vector<128x128xf32>
    %dot_general3A = arith.constant dense<0.000000e+00> : vector<1024x128xf32>
    %dot_general3A_14 = tpu.matmul %get3A_10, %get3A_13, %dot_general3A {dimension_numbers = #tpu.dot_dimension_numbers<[1], [0], [0], [1], [0, 0, 1, 1], [], []>, transpose_lhs_hint = false} : vector<1024x128xf32>, vector<128x128xf32>, vector<1024x128xf32> -> vector<1024x128xf32>
    %mul3A = vector.broadcast %rsqrt3A : vector<1024x1xf32> to vector<1024x128xf32>
    %mul3A_15 = arith.mulf %dot_general3A_14, %mul3A : vector<1024x128xf32>
    %swap3A = arith.constant 0 : index
    %swap3A_16 = arith.constant 0 : index
    %swap3A_17 = vector.load %arg5[%swap3A, %swap3A_16] : memref<1024x128xf32, #tpu.memory_space<vmem>>, vector<1024x128xf32>
    tpu.vector_store %arg5[%swap3A, %swap3A_16], %mul3A_15 {strides = array<i32>} : memref<1024x128xf32, #tpu.memory_space<vmem>>, vector<1024x128xf32>,
    %swap3A_18 = arith.constant 0 : index
    %swap3A_19 = arith.constant 0 : index
    %swap3A_20 = vector.load %arg6[%swap3A_18, %swap3A_19] : memref<1024x1xf32, #tpu.memory_space<vmem>>, vector<1024x1xf32>
    tpu.vector_store %arg6[%swap3A_18, %swap3A_19], %rsqrt3A {strides = array<i32>} : memref<1024x1xf32, #tpu.memory_space<vmem>>, vector<1024x1xf32>,
    return
  }
  func.func @transform_0(%arg0: i32) -> (i32, i32) {
    %c0_i32 = arith.constant 0 : i32
    %c0_i32_0 = arith.constant 0 : i32
    return %arg0, %c0_i32 : i32, i32
  }
  func.func @transform_1(%arg0: i32) -> (i32, i32) {
    %c0_i32 = arith.constant 0 : i32
    %c0_i32_0 = arith.constant 0 : i32
    %c0_i32_1 = arith.constant 0 : i32
    return %c0_i32, %c0_i32_0 : i32, i32
  }
  func.func @transform_2(%arg0: i32) -> (i32, i32) {
    %c0_i32 = arith.constant 0 : i32
    %c0_i32_0 = arith.constant 0 : i32
    return %arg0, %c0_i32 : i32, i32
  }
  func.func @transform_3(%arg0: i32) -> (i32, i32) {
    %c0_i32 = arith.constant 0 : i32
    %c0_i32_0 = arith.constant 0 : i32
    return %arg0, %c0_i32 : i32, i32
  }
  func.func @transform_4(%arg0: i32) -> (i32, i32) {
    %c0_i32 = arith.constant 0 : i32
    %c0_i32_0 = arith.constant 0 : i32
    return %arg0, %c0_i32 : i32, i32
  }
  func.func @transform_5(%arg0: i32) -> (i32, i32) {
    %c0_i32 = arith.constant 0 : i32
    %c0_i32_0 = arith.constant 0 : i32
    return %arg0, %c0_i32 : i32, i32
  }
}

module attributes {stable_mosaic.version = 14 : i64} {
  func.func @_tc2_body(%arg0: i32, %arg1: memref<1x1024x128xf32, #tpu.memory_space<vmem>>, %arg2: memref<1x1024x128xf32, #tpu.memory_space<vmem>>, %arg3: memref<1024x128xf32, #tpu.memory_space<vmem>>, %arg4: memref<1024x1xf32, #tpu.memory_space<vmem>>, %arg5: memref<128x128xf32, #tpu.memory_space<vmem>>, %arg6: memref<1x128xf32, #tpu.memory_space<vmem>>, %arg7: memref<1x128xf32, #tpu.memory_space<vmem>>, %arg8: memref<1x128xf32, #tpu.memory_space<vmem>>, %arg9: memref<1x128xf32, #tpu.memory_space<vmem>>, %arg10: memref<1x128xf32, #tpu.memory_space<vmem>>, %arg11: memref<1024x128xf32, #tpu.memory_space<vmem>>, %arg12: memref<1024x128xf32, #tpu.memory_space<vmem>>) attributes {dimension_semantics = [#tpu.dimension_semantics<arbitrary>], iteration_bounds = array<i64: 10>, scalar_prefetch = 0 : i64, scratch_operands = 0 : i64, tpu.core_type = #tpu.core_type<tc>, window_params = [{transform_indices = @transform_0, window_bounds = array<i64: 1, 1024, 128>}, {transform_indices = @transform_1, window_bounds = array<i64: 1, 1024, 128>}, {transform_indices = @transform_2, window_bounds = array<i64: 1024, 128>}, {transform_indices = @transform_3, window_bounds = array<i64: 1024, 1>}, {pipeline_mode = #tpu.pipeline_mode<synchronous>, transform_indices = @transform_4, window_bounds = array<i64: 128, 128>}, {pipeline_mode = #tpu.pipeline_mode<synchronous>, transform_indices = @transform_5, window_bounds = array<i64: 1, 128>}, {pipeline_mode = #tpu.pipeline_mode<synchronous>, transform_indices = @transform_6, window_bounds = array<i64: 1, 128>}, {pipeline_mode = #tpu.pipeline_mode<synchronous>, transform_indices = @transform_7, window_bounds = array<i64: 1, 128>}, {pipeline_mode = #tpu.pipeline_mode<synchronous>, transform_indices = @transform_8, window_bounds = array<i64: 1, 128>}, {pipeline_mode = #tpu.pipeline_mode<synchronous>, transform_indices = @transform_9, window_bounds = array<i64: 1, 128>}, {transform_indices = @transform_10, window_bounds = array<i64: 1024, 128>}, {transform_indices = @transform_11, window_bounds = array<i64: 1024, 128>}]} {
    %get3A = arith.constant 0 : index
    %get3A_0 = arith.constant 0 : index
    %get3A_1 = vector.load %arg4[%get3A, %get3A_0] : memref<1024x1xf32, #tpu.memory_space<vmem>>, vector<1024x1xf32>
    %get3A_2 = arith.constant 0 : index
    %get3A_3 = arith.constant 0 : index
    %get3A_4 = arith.constant 0 : index
    %get3A_5 = vector.load %arg1[%get3A_2, %get3A_3, %get3A_4] : memref<1x1024x128xf32, #tpu.memory_space<vmem>>, vector<1x1024x128xf32>
    %get3A_6 = vector.shape_cast %get3A_5 : vector<1x1024x128xf32> to vector<1024x128xf32>
    %get3A_7 = arith.constant 0 : index
    %get3A_8 = arith.constant 0 : index
    %get3A_9 = arith.constant 0 : index
    %get3A_10 = vector.load %arg2[%get3A_7, %get3A_8, %get3A_9] : memref<1x1024x128xf32, #tpu.memory_space<vmem>>, vector<1x1024x128xf32>
    %get3A_11 = vector.shape_cast %get3A_10 : vector<1x1024x128xf32> to vector<1024x128xf32>
    %add3A = arith.addf %get3A_6, %get3A_11 : vector<1024x128xf32>
    %get3A_12 = arith.constant 0 : index
    %get3A_13 = arith.constant 0 : index
    %get3A_14 = vector.load %arg3[%get3A_12, %get3A_13] : memref<1024x128xf32, #tpu.memory_space<vmem>>, vector<1024x128xf32>
    %add3A_15 = arith.addf %add3A, %get3A_14 : vector<1024x128xf32>
    %mul3A = vector.broadcast %get3A_1 : vector<1024x1xf32> to vector<1024x128xf32>
    %mul3A_16 = arith.mulf %mul3A, %add3A_15 : vector<1024x128xf32>
    %get3A_17 = arith.constant 0 : index
    %get3A_18 = arith.constant 0 : index
    %get3A_19 = vector.load %arg6[%get3A_17, %get3A_18] : memref<1x128xf32, #tpu.memory_space<vmem>>, vector<1x128xf32>
    %add3A_20 = vector.broadcast %get3A_19 : vector<1x128xf32> to vector<1024x128xf32>
    %add3A_21 = arith.addf %mul3A_16, %add3A_20 : vector<1024x128xf32>
    %get3A_22 = arith.constant 0 : index
    %get3A_23 = arith.constant 0 : index
    %get3A_24 = vector.load %arg7[%get3A_22, %get3A_23] : memref<1x128xf32, #tpu.memory_space<vmem>>, vector<1x128xf32>
    %get3A_25 = arith.constant 0 : index
    %get3A_26 = arith.constant 0 : index
    %get3A_27 = vector.load %arg10[%get3A_25, %get3A_26] : memref<1x128xf32, #tpu.memory_space<vmem>>, vector<1x128xf32>
    %add3A_28 = arith.constant 9.99999974E-6 : f32
    %add3A_29 = vector.broadcast %add3A_28 : f32 to vector<1x128xf32>
    %add3A_30 = arith.addf %get3A_27, %add3A_29 : vector<1x128xf32>
    %rsqrt3A = math.rsqrt %add3A_30 : vector<1x128xf32>
    %mul3A_31 = arith.mulf %get3A_24, %rsqrt3A : vector<1x128xf32>
    %get3A_32 = arith.constant 0 : index
    %get3A_33 = arith.constant 0 : index
    %get3A_34 = vector.load %arg9[%get3A_32, %get3A_33] : memref<1x128xf32, #tpu.memory_space<vmem>>, vector<1x128xf32>
    %sub3A = vector.broadcast %get3A_34 : vector<1x128xf32> to vector<1024x128xf32>
    %sub3A_35 = arith.subf %add3A_21, %sub3A : vector<1024x128xf32>
    %mul3A_36 = vector.broadcast %mul3A_31 : vector<1x128xf32> to vector<1024x128xf32>
    %mul3A_37 = arith.mulf %sub3A_35, %mul3A_36 : vector<1024x128xf32>
    %get3A_38 = arith.constant 0 : index
    %get3A_39 = arith.constant 0 : index
    %get3A_40 = vector.load %arg8[%get3A_38, %get3A_39] : memref<1x128xf32, #tpu.memory_space<vmem>>, vector<1x128xf32>
    %add3A_41 = vector.broadcast %get3A_40 : vector<1x128xf32> to vector<1024x128xf32>
    %add3A_42 = arith.addf %mul3A_37, %add3A_41 : vector<1024x128xf32>
    %max3A = arith.constant 0.000000e+00 : f32
    %max3A_43 = vector.broadcast %max3A : f32 to vector<1024x128xf32>
    %max3A_44 = arith.maximumf %add3A_42, %max3A_43 : vector<1024x128xf32>
    %swap3A = arith.constant 0 : index
    %swap3A_45 = arith.constant 0 : index
    %swap3A_46 = vector.load %arg11[%swap3A, %swap3A_45] : memref<1024x128xf32, #tpu.memory_space<vmem>>, vector<1024x128xf32>
    tpu.vector_store %arg11[%swap3A, %swap3A_45], %max3A_44 {strides = array<i32>} : memref<1024x128xf32, #tpu.memory_space<vmem>>, vector<1024x128xf32>,
    %get3A_47 = arith.constant 0 : index
    %get3A_48 = arith.constant 0 : index
    %get3A_49 = vector.load %arg5[%get3A_47, %get3A_48] : memref<128x128xf32, #tpu.memory_space<vmem>>, vector<128x128xf32>
    %dot_general3A = arith.constant dense<0.000000e+00> : vector<1024x128xf32>
    %dot_general3A_50 = tpu.matmul %max3A_44, %get3A_49, %dot_general3A {dimension_numbers = #tpu.dot_dimension_numbers<[1], [0], [0], [1], [0, 0, 1, 1], [], []>, transpose_lhs_hint = false} : vector<1024x128xf32>, vector<128x128xf32>, vector<1024x128xf32> -> vector<1024x128xf32>
    %mul3A_51 = vector.broadcast %get3A_1 : vector<1024x1xf32> to vector<1024x128xf32>
    %mul3A_52 = arith.mulf %dot_general3A_50, %mul3A_51 : vector<1024x128xf32>
    %swap3A_53 = arith.constant 0 : index
    %swap3A_54 = arith.constant 0 : index
    %swap3A_55 = vector.load %arg12[%swap3A_53, %swap3A_54] : memref<1024x128xf32, #tpu.memory_space<vmem>>, vector<1024x128xf32>
    tpu.vector_store %arg12[%swap3A_53, %swap3A_54], %mul3A_52 {strides = array<i32>} : memref<1024x128xf32, #tpu.memory_space<vmem>>, vector<1024x128xf32>,
    return
  }
  func.func @transform_0(%arg0: i32) -> (i32, i32, i32) {
    %c0_i32 = arith.constant 0 : i32
    %c0_i32_0 = arith.constant 0 : i32
    %c0_i32_1 = arith.constant 0 : i32
    return %c0_i32, %arg0, %c0_i32_0 : i32, i32, i32
  }
  func.func @transform_1(%arg0: i32) -> (i32, i32, i32) {
    %c1_i32 = arith.constant 1 : i32
    %c0_i32 = arith.constant 0 : i32
    %c0_i32_0 = arith.constant 0 : i32
    return %c1_i32, %arg0, %c0_i32 : i32, i32, i32
  }
  func.func @transform_2(%arg0: i32) -> (i32, i32) {
    %c0_i32 = arith.constant 0 : i32
    %c0_i32_0 = arith.constant 0 : i32
    return %arg0, %c0_i32 : i32, i32
  }
  func.func @transform_3(%arg0: i32) -> (i32, i32) {
    %c0_i32 = arith.constant 0 : i32
    %c0_i32_0 = arith.constant 0 : i32
    return %arg0, %c0_i32 : i32, i32
  }
  func.func @transform_4(%arg0: i32) -> (i32, i32) {
    %c0_i32 = arith.constant 0 : i32
    %c0_i32_0 = arith.constant 0 : i32
    %c0_i32_1 = arith.constant 0 : i32
    return %c0_i32, %c0_i32_0 : i32, i32
  }
  func.func @transform_5(%arg0: i32) -> (i32, i32) {
    %c0_i32 = arith.constant 0 : i32
    %c0_i32_0 = arith.constant 0 : i32
    %c0_i32_1 = arith.constant 0 : i32
    return %c0_i32, %c0_i32_0 : i32, i32
  }
  func.func @transform_6(%arg0: i32) -> (i32, i32) {
    %c0_i32 = arith.constant 0 : i32
    %c0_i32_0 = arith.constant 0 : i32
    %c0_i32_1 = arith.constant 0 : i32
    return %c0_i32, %c0_i32_0 : i32, i32
  }
  func.func @transform_7(%arg0: i32) -> (i32, i32) {
    %c0_i32 = arith.constant 0 : i32
    %c0_i32_0 = arith.constant 0 : i32
    %c0_i32_1 = arith.constant 0 : i32
    return %c0_i32, %c0_i32_0 : i32, i32
  }
  func.func @transform_8(%arg0: i32) -> (i32, i32) {
    %c0_i32 = arith.constant 0 : i32
    %c0_i32_0 = arith.constant 0 : i32
    %c0_i32_1 = arith.constant 0 : i32
    return %c0_i32, %c0_i32_0 : i32, i32
  }
  func.func @transform_9(%arg0: i32) -> (i32, i32) {
    %c0_i32 = arith.constant 0 : i32
    %c0_i32_0 = arith.constant 0 : i32
    %c0_i32_1 = arith.constant 0 : i32
    return %c0_i32, %c0_i32_0 : i32, i32
  }
  func.func @transform_10(%arg0: i32) -> (i32, i32) {
    %c0_i32 = arith.constant 0 : i32
    %c0_i32_0 = arith.constant 0 : i32
    return %arg0, %c0_i32 : i32, i32
  }
  func.func @transform_11(%arg0: i32) -> (i32, i32) {
    %c0_i32 = arith.constant 0 : i32
    %c0_i32_0 = arith.constant 0 : i32
    return %arg0, %c0_i32 : i32, i32
  }
}

module attributes {stable_mosaic.version = 14 : i64} {
  func.func @_tc3_body(%arg0: i32, %arg1: memref<1x1000x128xf32, #tpu.memory_space<vmem>>, %arg2: memref<1x1000x128xf32, #tpu.memory_space<vmem>>, %arg3: memref<1000x128xf32, #tpu.memory_space<vmem>>, %arg4: memref<1000x1xf32, #tpu.memory_space<vmem>>, %arg5: memref<1000x128xf32, #tpu.memory_space<vmem>>, %arg6: memref<128x64xf32, #tpu.memory_space<vmem>>, %arg7: memref<1x128xf32, #tpu.memory_space<vmem>>, %arg8: memref<1x64xf32, #tpu.memory_space<vmem>>, %arg9: memref<1000x64xf32, #tpu.memory_space<vmem>>) attributes {dimension_semantics = [#tpu.dimension_semantics<arbitrary>], iteration_bounds = array<i64: 10>, scalar_prefetch = 0 : i64, scratch_operands = 0 : i64, tpu.core_type = #tpu.core_type<tc>, window_params = [{transform_indices = @transform_0, window_bounds = array<i64: 1, 1000, 128>}, {transform_indices = @transform_1, window_bounds = array<i64: 1, 1000, 128>}, {transform_indices = @transform_2, window_bounds = array<i64: 1000, 128>}, {transform_indices = @transform_3, window_bounds = array<i64: 1000, 1>}, {transform_indices = @transform_4, window_bounds = array<i64: 1000, 128>}, {pipeline_mode = #tpu.pipeline_mode<synchronous>, transform_indices = @transform_5, window_bounds = array<i64: 128, 64>}, {pipeline_mode = #tpu.pipeline_mode<synchronous>, transform_indices = @transform_6, window_bounds = array<i64: 1, 128>}, {pipeline_mode = #tpu.pipeline_mode<synchronous>, transform_indices = @transform_7, window_bounds = array<i64: 1, 64>}, {transform_indices = @transform_8, window_bounds = array<i64: 1000, 64>}]} {
    %get3A = arith.constant 0 : index
    %get3A_0 = arith.constant 0 : index
    %get3A_1 = vector.load %arg4[%get3A, %get3A_0] : memref<1000x1xf32, #tpu.memory_space<vmem>>, vector<1000x1xf32>
    %get3A_2 = arith.constant 0 : index
    %get3A_3 = arith.constant 0 : index
    %get3A_4 = arith.constant 0 : index
    %get3A_5 = vector.load %arg1[%get3A_2, %get3A_3, %get3A_4] : memref<1x1000x128xf32, #tpu.memory_space<vmem>>, vector<1x1000x128xf32>
    %get3A_6 = vector.shape_cast %get3A_5 : vector<1x1000x128xf32> to vector<1000x128xf32>
    %get3A_7 = arith.constant 0 : index
    %get3A_8 = arith.constant 0 : index
    %get3A_9 = arith.constant 0 : index
    %get3A_10 = vector.load %arg2[%get3A_7, %get3A_8, %get3A_9] : memref<1x1000x128xf32, #tpu.memory_space<vmem>>, vector<1x1000x128xf32>
    %get3A_11 = vector.shape_cast %get3A_10 : vector<1x1000x128xf32> to vector<1000x128xf32>
    %add3A = arith.addf %get3A_6, %get3A_11 : vector<1000x128xf32>
    %get3A_12 = arith.constant 0 : index
    %get3A_13 = arith.constant 0 : index
    %get3A_14 = vector.load %arg3[%get3A_12, %get3A_13] : memref<1000x128xf32, #tpu.memory_space<vmem>>, vector<1000x128xf32>
    %add3A_15 = arith.addf %add3A, %get3A_14 : vector<1000x128xf32>
    %mul3A = vector.broadcast %get3A_1 : vector<1000x1xf32> to vector<1000x128xf32>
    %mul3A_16 = arith.mulf %mul3A, %add3A_15 : vector<1000x128xf32>
    %get3A_17 = arith.constant 0 : index
    %get3A_18 = arith.constant 0 : index
    %get3A_19 = vector.load %arg7[%get3A_17, %get3A_18] : memref<1x128xf32, #tpu.memory_space<vmem>>, vector<1x128xf32>
    %add3A_20 = vector.broadcast %get3A_19 : vector<1x128xf32> to vector<1000x128xf32>
    %add3A_21 = arith.addf %mul3A_16, %add3A_20 : vector<1000x128xf32>
    %get3A_22 = arith.constant 0 : index
    %get3A_23 = arith.constant 0 : index
    %get3A_24 = vector.load %arg5[%get3A_22, %get3A_23] : memref<1000x128xf32, #tpu.memory_space<vmem>>, vector<1000x128xf32>
    %max3A = arith.maximumf %get3A_24, %add3A_21 : vector<1000x128xf32>
    %get3A_25 = arith.constant 0 : index
    %get3A_26 = arith.constant 0 : index
    %get3A_27 = vector.load %arg6[%get3A_25, %get3A_26] : memref<128x64xf32, #tpu.memory_space<vmem>>, vector<128x64xf32>
    %dot_general3A = arith.constant dense<0.000000e+00> : vector<1000x64xf32>
    %dot_general3A_28 = tpu.matmul %max3A, %get3A_27, %dot_general3A {dimension_numbers = #tpu.dot_dimension_numbers<[1], [0], [0], [1], [0, 0, 1, 1], [], []>, transpose_lhs_hint = false} : vector<1000x128xf32>, vector<128x64xf32>, vector<1000x64xf32> -> vector<1000x64xf32>
    %get3A_29 = arith.constant 0 : index
    %get3A_30 = arith.constant 0 : index
    %get3A_31 = vector.load %arg8[%get3A_29, %get3A_30] : memref<1x64xf32, #tpu.memory_space<vmem>>, vector<1x64xf32>
    %add3A_32 = vector.broadcast %get3A_31 : vector<1x64xf32> to vector<1000x64xf32>
    %add3A_33 = arith.addf %dot_general3A_28, %add3A_32 : vector<1000x64xf32>
    %swap3A = arith.constant 0 : index
    %swap3A_34 = arith.constant 0 : index
    %swap3A_35 = vector.load %arg9[%swap3A, %swap3A_34] : memref<1000x64xf32, #tpu.memory_space<vmem>>, vector<1000x64xf32>
    tpu.vector_store %arg9[%swap3A, %swap3A_34], %add3A_33 {strides = array<i32>} : memref<1000x64xf32, #tpu.memory_space<vmem>>, vector<1000x64xf32>,
    return
  }
  func.func @transform_0(%arg0: i32) -> (i32, i32, i32) {
    %c0_i32 = arith.constant 0 : i32
    %c0_i32_0 = arith.constant 0 : i32
    %c0_i32_1 = arith.constant 0 : i32
    return %c0_i32, %arg0, %c0_i32_0 : i32, i32, i32
  }
  func.func @transform_1(%arg0: i32) -> (i32, i32, i32) {
    %c1_i32 = arith.constant 1 : i32
    %c0_i32 = arith.constant 0 : i32
    %c0_i32_0 = arith.constant 0 : i32
    return %c1_i32, %arg0, %c0_i32 : i32, i32, i32
  }
  func.func @transform_2(%arg0: i32) -> (i32, i32) {
    %c0_i32 = arith.constant 0 : i32
    %c0_i32_0 = arith.constant 0 : i32
    return %arg0, %c0_i32 : i32, i32
  }
  func.func @transform_3(%arg0: i32) -> (i32, i32) {
    %c0_i32 = arith.constant 0 : i32
    %c0_i32_0 = arith.constant 0 : i32
    return %arg0, %c0_i32 : i32, i32
  }
  func.func @transform_4(%arg0: i32) -> (i32, i32) {
    %c0_i32 = arith.constant 0 : i32
    %c0_i32_0 = arith.constant 0 : i32
    return %arg0, %c0_i32 : i32, i32
  }
  func.func @transform_5(%arg0: i32) -> (i32, i32) {
    %c0_i32 = arith.constant 0 : i32
    %c0_i32_0 = arith.constant 0 : i32
    %c0_i32_1 = arith.constant 0 : i32
    return %c0_i32, %c0_i32_0 : i32, i32
  }
  func.func @transform_6(%arg0: i32) -> (i32, i32) {
    %c0_i32 = arith.constant 0 : i32
    %c0_i32_0 = arith.constant 0 : i32
    %c0_i32_1 = arith.constant 0 : i32
    return %c0_i32, %c0_i32_0 : i32, i32
  }
  func.func @transform_7(%arg0: i32) -> (i32, i32) {
    %c0_i32 = arith.constant 0 : i32
    %c0_i32_0 = arith.constant 0 : i32
    %c0_i32_1 = arith.constant 0 : i32
    return %c0_i32, %c0_i32_0 : i32, i32
  }
  func.func @transform_8(%arg0: i32) -> (i32, i32) {
    %c0_i32 = arith.constant 0 : i32
    %c0_i32_0 = arith.constant 0 : i32
    return %arg0, %c0_i32 : i32, i32
  }
}

</mosaic_0001>

<sc_bundles>
// kernel: kernel.11.cloned.1.call-start
scs
__scs_entry_jumppad:
0x0: {  	(pc) =	sbr.rel $0x88, $3  }
0x1: {  	(tag) =	ssettag $0x0;
	lr =	simm.s32 $0x1  }
0x2: {  	[smem:$0x3F95] =	sst lr;
	_ =	strace $0xD0000000  }
0x3: {  	_ = 	snop  }
0x4: {  	_ = 	snop  }
0x5: {  	_ = 	snop  }
0x6: {  	_ = 	snop  }
0x7: {  	_ = 	snop  }
__scs_overlays_trampoline_lowered:
0x8: {  	[smem:$0x3FA4] =	sst s0  }
0x9: {  	[smem:$0x3FA5] =	sst s1  }
0xa: {  	[smem:$0x3FA6] =	sst s2  }
0xb: {  	[smem:$0x3FA7] =	sst s3  }
0xc: {  	[smem:$0x3FA8] =	sst s4  }
0xd: {  	[smem:$0x3FA9] =	sst s5  }
0xe: {  	[smem:$0x3FAA] =	sst s6  }
0xf: {  	[smem:$0x3FAB] =	sst s7  }
0x10: {  	[smem:$0x3FAC] =	sst s8  }
0x11: {  	[smem:$0x3FAD] =	sst s9;
	s0 =	simm.s32 @!p0 $0x0  }
0x12: {  	s1 =	sld [smem:$0x3F93];
	s0 =	simm.s32 @p0 $0x1  }
0x13: {  	[smem:$0x3FAE] =	sst s0;
	s0 =	simm.s32 @!p1 $0x0  }
0x14: {  	s2 =	sld [smem:$0x3F92];
	s0 =	simm.s32 @p1 $0x1  }
0x15: {  	[smem:$0x3FAF] =	sst s0;
	s0 =	simm.s32 @!p2 $0x0  }
0x16: {  	s3 =	sld [smem:$0x3FDB];
	s0 =	simm.s32 @p2 $0x1  }
0x17: {  	s4 =	simm.s32 $0x1BF5;
	[smem:$0x3FB1] =	sst s0  }
0x18: {  	s0 =	sld [smem:$0x3F94];
	_ =	swait.ge [sflag:s4], $0x0  }
0x19: {  	s7 =	sld [smem:$0x3F95]  }
0x1a: {  	s8 =	sadd.s32 $0xFFFFE003, lr  }
0x1b: {  	s9 =	sadd.s32 $0xFFFFFEF7, lr;
	s5 =	simm.s32 $0xFFFFFFFF;
	p2 =	slt.u32 s8, $0xFFFFF086  }
0x1c: {  	p1 =	slt.u32 s9, $0xF7A;
	s5 =	simm.s32 @!p2 $0x0  }
0x1d: {  	s5 =	simm.s32 @p1 $0x1;
	p0 =	seq.s32 s7, s2  }
0x1e: {  	s7 =	smul.u32 @!p0 $0xF7A, s2;
	p2 =	seq.s32 @!p0 s5, $0x0  }
0x1f: {  	s9 =	smul.u32 $0xF7A, s1;
	s8 =	simm.s32 @!p0 $0x1BF5;
	p2 =	por !p2, p0  }
0x20: {  	[sflag:s8] =	ssyncset.s32 @!p0 $0xFFFFF086;
	s6 =	sadd.s32 @!p0 s3, s7;
	s7 =	simm.s32 @!p0 $0x108  }
0x21: {  	s3 =	sadd.s32 s3, s9;
	s6 =	sadd.s32 @!p0 $0x88, s6;
	s7 =	simm.s32 @p2 $0x1082  }
0x22: {  	[simem:s7], [sflag:s8] =	dma.local @!p0 [hbm:s6], $0xF7A  }
0x23: {  	s9 =	sor.u32 $0xD0000000, s2;
	s6 =	simm.s32 $0x108;
	_ =	swait.ge @!p0 [sflag:s8], $0x0  }
0x24: {  	s3 =	sadd.s32 $0x88, s3;
	s6 =	simm.s32 @!p1 $0x1082;
	[sflag:s4] =	ssyncset.s32 $0xFFFFF086  }
0x25: {  	[simem:s6], [sflag:s4] =	dma.local [hbm:s3], $0xF7A  }
0x26: {  	[smem:$0x3F95] =	sst s1;
	(tag) =	ssettag s2;
	_ =	strace s9  }
0x27: {  	s1 =	sld [smem:$0x3FA5]  }
0x28: {  	s2 =	sld [smem:$0x3FA6]  }
0x29: {  	s4 =	sld [smem:$0x3FA8]  }
0x2a: {  	p0 =	seq.s32 s5, $0x0;
	s5 =	sld [smem:$0x3FA9]  }
0x2b: {  	s6 =	sld [smem:$0x3FAA]  }
0x2c: {  	s7 =	sld [smem:$0x3FAB]  }
0x2d: {  	s3 =	simm.s32 $0x108;
	s8 =	sld [smem:$0x3FAC]  }
0x2e: {  	s3 =	simm.s32 @!p0 $0x1082;
	s9 =	sld [smem:$0x3FAD]  }
0x2f: {  	lr =	sadd.s32 s0, s3;
	s0 =	sld [smem:$0x3FA4]  }
0x30: {  	s3 =	sld [smem:$0x3FA7]  }
0x31: {  	[smem:$0x3FB0] =	sst s10  }
0x32: {  	s10 =	sld [smem:$0x3FAE];
	_ =	sdelay $0x3  }
0x33: {  	p0 =	seq.s32 s10, $0x1;
	s10 =	sld [smem:$0x3FB0];
	_ =	sdelay $0x3  }
0x34: {  	[smem:$0x3FB0] =	sst s10  }
0x35: {  	s10 =	sld [smem:$0x3FAF];
	_ =	sdelay $0x3  }
0x36: {  	p1 =	seq.s32 s10, $0x1;
	s10 =	sld [smem:$0x3FB0];
	_ =	sdelay $0x3  }
0x37: {  	[smem:$0x3FB0] =	sst s10  }
0x38: {  	s10 =	sld [smem:$0x3FB1]  }
0x39: {  	_ = 	snop;
	(pc) =	sbr.ind lr, $3  }
0x3a: {  	_ = 	snop  }
0x3b: {  	_ = 	snop  }
0x3c: {  	p2 =	seq.s32 s10, $0x1;
	s10 =	sld [smem:$0x3FB0]  }
0x3d: {  	_ =	shalt  }
0x3e: {  	_ =	shalt  }
0x3f: {  	_ =	shalt  }
0x40: {  	_ =	shalt  }
0x41: {  	_ =	shalt  }
0x42: {  	_ =	shalt  }
0x43: {  	_ =	shalt  }
0x44: {  	_ =	shalt  }
0x45: {  	_ =	shalt  }
0x46: {  	_ =	shalt  }
0x47: {  	_ =	shalt  }
0x48: {  	_ =	shalt  }
0x49: {  	_ =	shalt  }
0x4a: {  	_ =	shalt  }
0x4b: {  	_ =	shalt  }
0x4c: {  	_ =	shalt  }
0x4d: {  	_ =	shalt  }
0x4e: {  	_ =	shalt  }
0x4f: {  	_ =	shalt  }
0x50: {  	_ =	shalt  }
0x51: {  	_ =	shalt  }
0x52: {  	_ =	shalt  }
0x53: {  	_ =	shalt  }
0x54: {  	_ =	shalt  }
0x55: {  	_ =	shalt  }
0x56: {  	_ =	shalt  }
0x57: {  	_ =	shalt  }
0x58: {  	_ =	shalt  }
0x59: {  	_ =	shalt  }
0x5a: {  	_ =	shalt  }
0x5b: {  	_ =	shalt  }
0x5c: {  	_ =	shalt  }
0x5d: {  	_ =	shalt  }
0x5e: {  	_ =	shalt  }
0x5f: {  	_ =	shalt  }
0x60: {  	_ =	shalt  }
0x61: {  	_ =	shalt  }
0x62: {  	_ =	shalt  }
0x63: {  	_ =	shalt  }
0x64: {  	_ =	shalt  }
0x65: {  	_ =	shalt  }
0x66: {  	_ =	shalt  }
0x67: {  	_ =	shalt  }
0x68: {  	_ =	shalt  }
0x69: {  	_ =	shalt  }
0x6a: {  	_ =	shalt  }
0x6b: {  	_ =	shalt  }
0x6c: {  	_ =	shalt  }
0x6d: {  	_ =	shalt  }
0x6e: {  	_ =	shalt  }
0x6f: {  	_ =	shalt  }
0x70: {  	_ =	shalt  }
0x71: {  	_ =	shalt  }
0x72: {  	_ =	shalt  }
0x73: {  	_ =	shalt  }
0x74: {  	_ =	shalt  }
0x75: {  	_ =	shalt  }
0x76: {  	_ =	shalt  }
0x77: {  	_ =	shalt  }
0x78: {  	_ =	shalt  }
0x79: {  	_ =	shalt  }
0x7a: {  	_ =	shalt  }
0x7b: {  	_ =	shalt  }
0x7c: {  	_ =	shalt  }
0x7d: {  	_ =	shalt  }
0x7e: {  	_ =	shalt  }
0x7f: {  	_ =	shalt  }
0x80: {  	_ =	shalt  }
0x81: {  	_ =	shalt  }
0x82: {  	_ =	shalt  }
0x83: {  	_ =	shalt  }
0x84: {  	_ =	shalt  }
0x85: {  	_ =	shalt  }
0x86: {  	_ =	shalt  }
0x87: {  	_ =	shalt  }
.Lfunc_end0:
.L_simem_size_0:
called_computation.1_lowered:
.L_overlay_start_0:
0x88: {  	s2 =	sld [smem:$0x3FD9]  }
0x89: {  	s3 =	sld [smem:$0x3FFE];
	_ =	sdelay $0x1  }
0x8a: {  	s1 =	srdreg.scid  }
0x8b: {  	s0 =	sand.u32 $0x1, s1  }
0x8c: {  	s17 =	sshll.u32 s0, $0xA;
	s2 =	sadd.s32 s3, s2  }
0x8d: {  	s2 =	sadd.s32 s2, s17  }
0x8e: {  	[smem:$0x3FBC] =	sst s2  }
0x8f: {  	_ = 	snop  }
0x90: {  	s2 =	sld [smem:$0x3FD0];
	(tm) =	ssettm $0x1  }
0x91: {  	s18 =	sld [smem:$0x3FFB];
	_ =	sdelay $0x3  }
0x92: {  	_ =	strace s18  }
0x93: {  	s3 =	sld [smem:$0x3FFC];
	_ =	sdelay $0x3  }
0x94: {  	_ =	strace s3  }
0x95: {  	s3 =	sld [smem:$0x3FFD];
	_ =	sdelay $0x3  }
0x96: {  	_ =	strace s3  }
0x97: {  	_ =	strace $0x8FFFFFFF  }
0x98: {  	s19 =	sld [smem:$0x3FDB];
	_ =	sdelay $0x1  }
0x99: {  	s4 =	simm.s32 $_scs_section_size  }
0x9a: {  	s5 =	simm.s32 $_size__tile_overlayer_lowered;
	s6 =	simm.s32 $_tile_overlayer_lowered  }
0x9b: {  	s22 =	simm.s32 $0x1BFF;
	s21 =	sshll.u32 s6, $0x1;
	s3 =	sadd.s32 s4, s19  }
0x9c: {  	s7 =	simm.s32 $0x0;
	s20 =	sshll.u32 s5, $0x1;
	s5 =	sadd.s32 s21, s3  }
0x9d: {  	[timem:s7], [sflag:s22] =	dma.local [hbm:s5], s20  }
0x9e: {  	_ =	swait.ge [sflag:s22], s20  }
0x9f: {  	s4 =	ssub.s32 $0x0, s20;
	[sflag:s22] =	ssyncset.done $0x0  }
0xa0: {  	[sflag:s22] =	ssyncadd.s32 s4;
	_ =	sdelay $0x1  }
0xa1: {  	s23 =	simm.s32 $0x1B8B  }
0xa2: {  	_ =	swait.ge [sflag:s23], $0x1  }
0xa3: {  	[sflag:s23] =	ssyncset.done $0x0  }
0xa4: {  	s25 =	simm.s32 $0x1B8E;
	s24 =	sld [smem:$0x3FFE];
	[sflag:s23] =	ssyncadd.s32 $0xFFFFFFFF  }
0xa5: {  	s26 =	simm.s32 $execute0_lowered;
	[smem:$0x3FD2] =	sst s25  }
0xa6: {  	s5 =	sshll.u32 s26, $0x1;
	_ =	strace $0x80000049;
	[dreg:$0x1] =	wrdreg $0xFFFFFFFF  }
0xa7: {  	s28 =	simm.s32 $_size_execute0_lowered;
	s3 =	sadd.s32 s3, s5;
	[dreg:$0x0] =	wrdreg $0x0  }
0xa8: {  	s5 =	sshll.u32 s28, $0x1;
	[dreg:$0x2] =	wrdreg s3  }
0xa9: {  	[dreg:$0x3] =	wrdreg s5  }
0xaa: {  	[dreg:$0x4] =	wrdreg $0xC0  }
0xab: {  	_ =	task [dreg:s7], $0x5FFFF  }
0xac: {  	[dreg:$0x1] =	wrdreg $0xFFFFFFFF  }
0xad: {  	[dreg:$0x0] =	wrdreg $0x60  }
0xae: {  	[dreg:$0x2] =	wrdreg s24  }
0xaf: {  	[dreg:$0x3] =	wrdreg s2  }
0xb0: {  	[dreg:$0x4] =	wrdreg $0x90000  }
0xb1: {  	[dreg:$0x5] =	wrdreg $0x9  }
0xb2: {  	_ =	task.clear_ibuf [dreg:s7], $0x6FFFF;
	_ =	strace $0x90000049  }
0xb3: {  	s29 =	simm.s32 $0x9;
	_ =	strace $0x8000004B  }
0xb4: {  	_ =	swait.ge [sflag:s29], $0x1  }
0xb5: {  	[sflag:s29] =	ssyncadd.s32 $0xFFFFFFFF  }
0xb6: {  	_ =	strace $0x9000004B  }
0xb7: {  	_ =	sfence  }
0xb8: {  	s30 =	sld [smem:$0x0];
	_ =	sdelay $0x2  }
0xb9: {  	s31 =	sshll.u32 s1, $0xD;
	s1 =	sshrl.u32 s1, $0x2  }
0xba: {  	s3 =	sand.u32 $0x4000, s31;
	s1 =	sadd.s32 s1, s30  }
0xbb: {  	s0 =	sor.u32 s3, s0;
	s1 =	sshll.u32 s1, $0x11  }
0xbc: {  	s0 =	sor.u32 s1, s0  }
0xbd: {  	s0 =	sadd.s32 $0x8F2B, s0  }
0xbe: {  	[sflag:s0] =	ssyncadd.remote.s32 $0x1  }
0xbf: {  	_ =	sfence.sel $0xFFFF  }
0xc0: {  	[dreg:$0x0] =	wrdreg $0xFFFFFFFF;
	(pc) =	sbr.abs _section_cstart, $3  }
0xc1: {  	[dreg:$0x1] =	wrdreg $0xFFFFFFFF  }
0xc2: {  	_ =	task.clear_ibuf [dreg:s7], $0x2FFFF;
	_ =	strace $0x9FFFFFFF  }
0xc3: {  	(tm) =	ssettm $0x7FFFFFFF  }
tec
execute0_lowered:
.L_overlay_start_1:
0x0: {  	(tag) =	ssettag $0x1  }
0x1: {  	s5 =	rddreg [dreg:$0x0]  }
0x2: {  	s7 =	rddreg [dreg:$0x1]  }
0x3: {  	s0 =	srdreg.scid;
	s2 =	rddreg [dreg:$0x2]  }
0x4: {  	s3 =	simm.s32 $0x0;
	s6 =	sand.u32 $0x1, s0;
	s0 =	stileid.u32  }
0x5: {  	s15 =	simm.s32 $0x5000;
	s16 =	simm.s32 $0x1;
	s9 =	smul.u32 $0x2800, s0  }
0x6: {  	s17 =	simm.s32 $0x0;
	[smem:$0x7FF] =	sst s3;
	s10 =	smul.u32 $0x28000, s6  }
0x7: {  	s1 =	sshll.u32 s6, $0x4;
	s6 =	ssub.s32 $0x2, s6;
	s12 =	smul.u32 $0x50000, s0  }
0x8: {  	s31 =	sshll.u32 s0, $0x6;
	s4 =	sor.u32 s0, s1;
	s1 =	rddreg [dreg:$0x3]  }
0x9: {  	_ =	strace $0x8000004A;
	s30 =	sshrl.u32 s6, $0x1;
	s8 =	smul.u32 $0x500, s4  }
0xa: {  	s4 =	sadd.s32 $0xE800, s5;
	s13 =	sadd.s32 s9, s5;
	s9 =	sadd.s32 s9, s10  }
0xb: {  	s10 =	ssub.s32 s6, s30;
	s12 =	sshrl.u32 s12, $0x2;
	s9 =	sadd.s32 s9, s5  }
0xc: {  	s14 =	sadd.s32 s12, s2;
	s12 =	sor.u32 $0x1C02, s31;
	s11 =	sadd.s32 s8, s5  }
0xd: {  	s6 =	sadd.s32 s7, s8;
	s7 =	sadd.s32 $0x36800, s13;
	s8 =	sadd.s32 $0x5E800, s9  }
0xe: {  	s9 =	smax.u32 s10, $0x1;
	s10 =	simm.s32 $0x2;
	s13 =	sshrl.u32 s14, $0x3  }
0xf: {  	s14 =	simm.s32 $0x80;
	s5 =	sadd.s32 $0x4800, s11;
	s11 =	simm.s32 $0x2800  }
.LBB2_1:
0x10: {  	[tilespmem:s3], [sflag:$0x2] =	stream.linear.gather [hbm4b:s5+s3], $0x2780, $0x38;
	[tilespmem:$0x1D000] =	vst v63  }
0x11: {  	_ =	swait.ge [sflag:s10], $0x2780  }
0x12: {  	[sflag:s10] =	ssyncset.done $0x0  }
0x13: {  	[sflag:s10] =	ssyncadd.s32 $0xFFFFD880  }
0x14: {  	[tilespmem:s11], [sflag:$0x2] =	stream.linear.gather [hbm4b:s6+s3], $0x2780, $0x38;
	[tilespmem:$0x1D000] =	vst v63  }
0x15: {  	_ =	swait.ge [sflag:s10], $0x2780  }
0x16: {  	[sflag:s10] =	ssyncset.done $0x0  }
0x17: {  	[sflag:s10] =	ssyncadd.s32 $0xFFFFD880  }
0x18: {  	[spmem:s13], [sflag:s12] =	dma.local [hbm:s7], $0x2800  }
0x19: {  	_ =	swait.ge [sflag:s10], $0x2800  }
0x1a: {  	[sflag:s10] =	ssyncset.done $0x0  }
0x1b: {  	[sflag:s10] =	ssyncadd.s32 $0xFFFFD800  }
0x1c: {  	s18 =	simm.s32 $0x0;
	[bflag:$0x0] =	sbarrier.arrive $0xFFFF  }
0x1d: {  	[tilespmem:s15], [sflag:$0x1] =	stream.indirect.gather [hbm4b:s4+s14], $0x80, s18, s14, $0xb8;
	[tilespmem:$0x1D000] =	vst v63  }
0x1e: {  	_ =	swait.ge [sflag:s16], $0x4000  }
0x1f: {  	[sflag:s16] =	ssyncset.done $0x0  }
0x20: {  	s31 =	simm.s32 $0x2800;
	[sflag:s16] =	ssyncadd.s32 $0xFFFFC000  }
0x21: {  	[spmem:s2] =	stream.indirect.scatter.add.f32 [tilespmem:s15], [sflag:$0x2], $0x80, s31, s14, $0xb8;
	[tilespmem:$0x1D000] =	vst v63  }
0x22: {  	_ =	swait.ge [sflag:s10], $0x4000  }
0x23: {  	s19 =	simm.s32 $0x400;
	s18 =	simm.s32 $0x200;
	[sflag:s10] =	ssyncset.done $0x0  }
.LBB2_2:
0x24: {  	s20 =	sshra.s32 s18, $0x2  }
0x25: {  	[sflag:s10] =	ssyncadd.s32 $0xFFFFC000;
	s18 =	smov.u32 s19;
	s21 =	sadd.s32 $0x200, s19  }
0x26: {  	[tilespmem:s15], [sflag:$0x1] =	stream.indirect.gather [hbm4b:s4+s14], $0x80, s20, s14, $0xb8;
	[tilespmem:$0x1D000] =	vst v63  }
0x27: {  	p0 =	sne.s32 s19, $0x9C00;
	_ =	swait.ge [sflag:s16], $0x4000  }
.Ltmp0:
0x28: {  	[sflag:s16] =	ssyncset.done $0x0;
	(pc) =	sbr.rel @p0 .LBB2_2-.Ltmp0, $4  }
0x29: {  	s19 =	sadd.s32 $0x2800, s20;
	[sflag:s16] =	ssyncadd.s32 $0xFFFFC000  }
0x2a: {  	[spmem:s2] =	stream.indirect.scatter.add.f32 [tilespmem:s15], [sflag:$0x2], $0x80, s19, s14, $0xb8;
	[tilespmem:$0x1D000] =	vst v63  }
0x2b: {  	_ =	swait.ge [sflag:s10], $0x4000  }
0x2c: {  	s19 =	smov.u32 s21;
	[sflag:s10] =	ssyncset.done $0x0  }
0x2d: {  	s18 =	sshra.s32 s18, $0x2;
	[sflag:s10] =	ssyncadd.s32 $0xFFFFC000  }
0x2e: {  	[tilespmem:s15], [sflag:$0x1] =	stream.indirect.gather [hbm4b:s4+s14], $0x80, s18, s14, $0xb8;
	[tilespmem:$0x1D000] =	vst v63  }
0x2f: {  	_ =	swait.ge [sflag:s16], $0x4000  }
0x30: {  	[sflag:s16] =	ssyncset.done $0x0  }
0x31: {  	s18 =	sadd.s32 $0x2800, s18;
	[sflag:s16] =	ssyncadd.s32 $0xFFFFC000  }
0x32: {  	[spmem:s2] =	stream.indirect.scatter.add.f32 [tilespmem:s15], [sflag:$0x2], $0x80, s18, s14, $0xb8;
	[tilespmem:$0x1D000] =	vst v63  }
0x33: {  	_ =	swait.ge [sflag:s10], $0x4000  }
0x34: {  	s17 =	sadd.s32 $0x1, s17;
	[sflag:s10] =	ssyncset.done $0x0  }
0x35: {  	p0 =	sne.s32 s17, s9;
	[sflag:s10] =	ssyncadd.s32 $0xFFFFC000  }
.Ltmp1:
0x36: {  	[bflag:$0x0] =	sbarrier.arrive $0xFFFF;
	(pc) =	sbr.rel @p0 .LBB2_1-.Ltmp1, $4  }
0x37: {  	[hbm:s8], [sflag:s12] =	dma.local [spmem:s13], $0x2800  }
0x38: {  	_ =	swait.ge [sflag:s10], $0x2800  }
0x39: {  	[sflag:s10] =	ssyncset.done $0x0  }
0x3a: {  	[sflag:s10] =	ssyncadd.s32 $0xFFFFD800  }
0x3b: {  	_ =	sfence.sel $0x180000  }
0x3c: {  	[bflag:$0x0] =	sbarrier.arrive $0xFFFF  }
0x3d: {  	p0 =	sne.s32 s0, $0x0;
	_ =	strace $0x9000004A  }
0x3e: {  	s0 =	sadd.s32 @!p0 $0x100000, s1;
	[bflag:$0x2] =	sbarrier.arrive $0xFFFF  }
0x3f: {  	[sflag:s0] =	ssyncadd.tile.s32 @!p0 $0x1;
	_ =	shalt  }
.Lfunc_end2:
_tile_overlayer_lowered:
.L_overlay_start_2:
0x40: {  	(tag) =	ssettag $0x2  }
0x41: {  	s0 =	rddreg [dreg:$0x0];
	s2 =	stileid.u32  }
0x42: {  	s1 =	rddreg [dreg:$0x1];
	p0 =	sne.s32 s2, $0x0  }
0x43: {  	s3 =	rddreg [dreg:$0x2];
	[bflag:$0x3] =	sbarrier.arrive $0xFFFF;
	s2 =	simm.s32 @!p0 $0x1C02  }
0x44: {  	[timem:s3], [sflag:s2] =	dma.local @!p0 [hbm:s0], s1  }
0x45: {  	s0 =	simm.s32 @!p0 $0x2  }
0x46: {  	_ =	swait.ge @!p0 [sflag:s0], s1  }
0x47: {  	s1 =	ssub.s32 @!p0 $0x0, s1;
	[sflag:s0] =	ssyncset.done @!p0 $0x0  }
0x48: {  	[sflag:s0] =	ssyncadd.s32 @!p0 s1  }
0x49: {  	[bflag:$0x3] =	sbarrier.arrive $0xFFFF  }
0x4a: {  	_ =	shalt  }

// kernel: kernel.14.cloned.1.call-start
scs
__scs_entry_jumppad:
0x0: {  	(pc) =	sbr.rel $0x88, $3  }
0x1: {  	(tag) =	ssettag $0x0;
	lr =	simm.s32 $0x1  }
0x2: {  	[smem:$0x3F95] =	sst lr;
	_ =	strace $0xD0000000  }
0x3: {  	_ = 	snop  }
0x4: {  	_ = 	snop  }
0x5: {  	_ = 	snop  }
0x6: {  	_ = 	snop  }
0x7: {  	_ = 	snop  }
__scs_overlays_trampoline_lowered:
0x8: {  	[smem:$0x3FA4] =	sst s0  }
0x9: {  	[smem:$0x3FA5] =	sst s1  }
0xa: {  	[smem:$0x3FA6] =	sst s2  }
0xb: {  	[smem:$0x3FA7] =	sst s3  }
0xc: {  	[smem:$0x3FA8] =	sst s4  }
0xd: {  	[smem:$0x3FA9] =	sst s5  }
0xe: {  	[smem:$0x3FAA] =	sst s6  }
0xf: {  	[smem:$0x3FAB] =	sst s7  }
0x10: {  	[smem:$0x3FAC] =	sst s8  }
0x11: {  	[smem:$0x3FAD] =	sst s9;
	s0 =	simm.s32 @!p0 $0x0  }
0x12: {  	s1 =	sld [smem:$0x3F93];
	s0 =	simm.s32 @p0 $0x1  }
0x13: {  	[smem:$0x3FAE] =	sst s0;
	s0 =	simm.s32 @!p1 $0x0  }
0x14: {  	s2 =	sld [smem:$0x3F92];
	s0 =	simm.s32 @p1 $0x1  }
0x15: {  	[smem:$0x3FAF] =	sst s0;
	s0 =	simm.s32 @!p2 $0x0  }
0x16: {  	s3 =	sld [smem:$0x3FDB];
	s0 =	simm.s32 @p2 $0x1  }
0x17: {  	s4 =	simm.s32 $0x1BF5;
	[smem:$0x3FB1] =	sst s0  }
0x18: {  	s0 =	sld [smem:$0x3F94];
	_ =	swait.ge [sflag:s4], $0x0  }
0x19: {  	s7 =	sld [smem:$0x3F95]  }
0x1a: {  	s8 =	sadd.s32 $0xFFFFE003, lr  }
0x1b: {  	s9 =	sadd.s32 $0xFFFFFEF7, lr;
	s5 =	simm.s32 $0xFFFFFFFF;
	p2 =	slt.u32 s8, $0xFFFFF086  }
0x1c: {  	p1 =	slt.u32 s9, $0xF7A;
	s5 =	simm.s32 @!p2 $0x0  }
0x1d: {  	s5 =	simm.s32 @p1 $0x1;
	p0 =	seq.s32 s7, s2  }
0x1e: {  	s7 =	smul.u32 @!p0 $0xF7A, s2;
	p2 =	seq.s32 @!p0 s5, $0x0  }
0x1f: {  	s9 =	smul.u32 $0xF7A, s1;
	s8 =	simm.s32 @!p0 $0x1BF5;
	p2 =	por !p2, p0  }
0x20: {  	[sflag:s8] =	ssyncset.s32 @!p0 $0xFFFFF086;
	s6 =	sadd.s32 @!p0 s3, s7;
	s7 =	simm.s32 @!p0 $0x108  }
0x21: {  	s3 =	sadd.s32 s3, s9;
	s6 =	sadd.s32 @!p0 $0x88, s6;
	s7 =	simm.s32 @p2 $0x1082  }
0x22: {  	[simem:s7], [sflag:s8] =	dma.local @!p0 [hbm:s6], $0xF7A  }
0x23: {  	s9 =	sor.u32 $0xD0000000, s2;
	s6 =	simm.s32 $0x108;
	_ =	swait.ge @!p0 [sflag:s8], $0x0  }
0x24: {  	s3 =	sadd.s32 $0x88, s3;
	s6 =	simm.s32 @!p1 $0x1082;
	[sflag:s4] =	ssyncset.s32 $0xFFFFF086  }
0x25: {  	[simem:s6], [sflag:s4] =	dma.local [hbm:s3], $0xF7A  }
0x26: {  	[smem:$0x3F95] =	sst s1;
	(tag) =	ssettag s2;
	_ =	strace s9  }
0x27: {  	s1 =	sld [smem:$0x3FA5]  }
0x28: {  	s2 =	sld [smem:$0x3FA6]  }
0x29: {  	s4 =	sld [smem:$0x3FA8]  }
0x2a: {  	p0 =	seq.s32 s5, $0x0;
	s5 =	sld [smem:$0x3FA9]  }
0x2b: {  	s6 =	sld [smem:$0x3FAA]  }
0x2c: {  	s7 =	sld [smem:$0x3FAB]  }
0x2d: {  	s3 =	simm.s32 $0x108;
	s8 =	sld [smem:$0x3FAC]  }
0x2e: {  	s3 =	simm.s32 @!p0 $0x1082;
	s9 =	sld [smem:$0x3FAD]  }
0x2f: {  	lr =	sadd.s32 s0, s3;
	s0 =	sld [smem:$0x3FA4]  }
0x30: {  	s3 =	sld [smem:$0x3FA7]  }
0x31: {  	[smem:$0x3FB0] =	sst s10  }
0x32: {  	s10 =	sld [smem:$0x3FAE];
	_ =	sdelay $0x3  }
0x33: {  	p0 =	seq.s32 s10, $0x1;
	s10 =	sld [smem:$0x3FB0];
	_ =	sdelay $0x3  }
0x34: {  	[smem:$0x3FB0] =	sst s10  }
0x35: {  	s10 =	sld [smem:$0x3FAF];
	_ =	sdelay $0x3  }
0x36: {  	p1 =	seq.s32 s10, $0x1;
	s10 =	sld [smem:$0x3FB0];
	_ =	sdelay $0x3  }
0x37: {  	[smem:$0x3FB0] =	sst s10  }
0x38: {  	s10 =	sld [smem:$0x3FB1]  }
0x39: {  	_ = 	snop;
	(pc) =	sbr.ind lr, $3  }
0x3a: {  	_ = 	snop  }
0x3b: {  	_ = 	snop  }
0x3c: {  	p2 =	seq.s32 s10, $0x1;
	s10 =	sld [smem:$0x3FB0]  }
0x3d: {  	_ =	shalt  }
0x3e: {  	_ =	shalt  }
0x3f: {  	_ =	shalt  }
0x40: {  	_ =	shalt  }
0x41: {  	_ =	shalt  }
0x42: {  	_ =	shalt  }
0x43: {  	_ =	shalt  }
0x44: {  	_ =	shalt  }
0x45: {  	_ =	shalt  }
0x46: {  	_ =	shalt  }
0x47: {  	_ =	shalt  }
0x48: {  	_ =	shalt  }
0x49: {  	_ =	shalt  }
0x4a: {  	_ =	shalt  }
0x4b: {  	_ =	shalt  }
0x4c: {  	_ =	shalt  }
0x4d: {  	_ =	shalt  }
0x4e: {  	_ =	shalt  }
0x4f: {  	_ =	shalt  }
0x50: {  	_ =	shalt  }
0x51: {  	_ =	shalt  }
0x52: {  	_ =	shalt  }
0x53: {  	_ =	shalt  }
0x54: {  	_ =	shalt  }
0x55: {  	_ =	shalt  }
0x56: {  	_ =	shalt  }
0x57: {  	_ =	shalt  }
0x58: {  	_ =	shalt  }
0x59: {  	_ =	shalt  }
0x5a: {  	_ =	shalt  }
0x5b: {  	_ =	shalt  }
0x5c: {  	_ =	shalt  }
0x5d: {  	_ =	shalt  }
0x5e: {  	_ =	shalt  }
0x5f: {  	_ =	shalt  }
0x60: {  	_ =	shalt  }
0x61: {  	_ =	shalt  }
0x62: {  	_ =	shalt  }
0x63: {  	_ =	shalt  }
0x64: {  	_ =	shalt  }
0x65: {  	_ =	shalt  }
0x66: {  	_ =	shalt  }
0x67: {  	_ =	shalt  }
0x68: {  	_ =	shalt  }
0x69: {  	_ =	shalt  }
0x6a: {  	_ =	shalt  }
0x6b: {  	_ =	shalt  }
0x6c: {  	_ =	shalt  }
0x6d: {  	_ =	shalt  }
0x6e: {  	_ =	shalt  }
0x6f: {  	_ =	shalt  }
0x70: {  	_ =	shalt  }
0x71: {  	_ =	shalt  }
0x72: {  	_ =	shalt  }
0x73: {  	_ =	shalt  }
0x74: {  	_ =	shalt  }
0x75: {  	_ =	shalt  }
0x76: {  	_ =	shalt  }
0x77: {  	_ =	shalt  }
0x78: {  	_ =	shalt  }
0x79: {  	_ =	shalt  }
0x7a: {  	_ =	shalt  }
0x7b: {  	_ =	shalt  }
0x7c: {  	_ =	shalt  }
0x7d: {  	_ =	shalt  }
0x7e: {  	_ =	shalt  }
0x7f: {  	_ =	shalt  }
0x80: {  	_ =	shalt  }
0x81: {  	_ =	shalt  }
0x82: {  	_ =	shalt  }
0x83: {  	_ =	shalt  }
0x84: {  	_ =	shalt  }
0x85: {  	_ =	shalt  }
0x86: {  	_ =	shalt  }
0x87: {  	_ =	shalt  }
.Lfunc_end0:
.L_simem_size_0:
called_computation.2_lowered:
.L_overlay_start_0:
0x88: {  	s2 =	sld [smem:$0x3FD9]  }
0x89: {  	s3 =	sld [smem:$0x3FFE];
	_ =	sdelay $0x1  }
0x8a: {  	s1 =	srdreg.scid  }
0x8b: {  	s0 =	sand.u32 $0x1, s1  }
0x8c: {  	s17 =	sshll.u32 s0, $0xA;
	s2 =	sadd.s32 s3, s2  }
0x8d: {  	s2 =	sadd.s32 s2, s17  }
0x8e: {  	[smem:$0x3FBC] =	sst s2  }
0x8f: {  	_ = 	snop  }
0x90: {  	s2 =	sld [smem:$0x3FD0];
	(tm) =	ssettm $0x1  }
0x91: {  	s18 =	sld [smem:$0x3FFB];
	_ =	sdelay $0x3  }
0x92: {  	_ =	strace s18  }
0x93: {  	s3 =	sld [smem:$0x3FFC];
	_ =	sdelay $0x3  }
0x94: {  	_ =	strace s3  }
0x95: {  	s3 =	sld [smem:$0x3FFD];
	_ =	sdelay $0x3  }
0x96: {  	_ =	strace s3  }
0x97: {  	_ =	strace $0x8FFFFFFF  }
0x98: {  	s19 =	sld [smem:$0x3FDB];
	_ =	sdelay $0x1  }
0x99: {  	s4 =	simm.s32 $_scs_section_size  }
0x9a: {  	s5 =	simm.s32 $_size__tile_overlayer_lowered;
	s6 =	simm.s32 $_tile_overlayer_lowered  }
0x9b: {  	s22 =	simm.s32 $0x1BFF;
	s21 =	sshll.u32 s6, $0x1;
	s3 =	sadd.s32 s4, s19  }
0x9c: {  	s7 =	simm.s32 $0x0;
	s20 =	sshll.u32 s5, $0x1;
	s5 =	sadd.s32 s21, s3  }
0x9d: {  	[timem:s7], [sflag:s22] =	dma.local [hbm:s5], s20  }
0x9e: {  	_ =	swait.ge [sflag:s22], s20  }
0x9f: {  	s4 =	ssub.s32 $0x0, s20;
	[sflag:s22] =	ssyncset.done $0x0  }
0xa0: {  	[sflag:s22] =	ssyncadd.s32 s4;
	_ =	sdelay $0x1  }
0xa1: {  	s23 =	simm.s32 $0x1B8B  }
0xa2: {  	_ =	swait.ge [sflag:s23], $0x1  }
0xa3: {  	[sflag:s23] =	ssyncset.done $0x0  }
0xa4: {  	s25 =	simm.s32 $0x1B8E;
	s24 =	sld [smem:$0x3FFE];
	[sflag:s23] =	ssyncadd.s32 $0xFFFFFFFF  }
0xa5: {  	s26 =	simm.s32 $execute0_lowered;
	[smem:$0x3FD2] =	sst s25  }
0xa6: {  	s5 =	sshll.u32 s26, $0x1;
	_ =	strace $0x8000004C;
	[dreg:$0x1] =	wrdreg $0xFFFFFFFF  }
0xa7: {  	s28 =	simm.s32 $_size_execute0_lowered;
	s3 =	sadd.s32 s3, s5;
	[dreg:$0x0] =	wrdreg $0x0  }
0xa8: {  	s5 =	sshll.u32 s28, $0x1;
	[dreg:$0x2] =	wrdreg s3  }
0xa9: {  	[dreg:$0x3] =	wrdreg s5  }
0xaa: {  	[dreg:$0x4] =	wrdreg $0xC0  }
0xab: {  	_ =	task [dreg:s7], $0x5FFFF  }
0xac: {  	[dreg:$0x1] =	wrdreg $0xFFFFFFFF  }
0xad: {  	[dreg:$0x0] =	wrdreg $0x60  }
0xae: {  	[dreg:$0x2] =	wrdreg s24  }
0xaf: {  	[dreg:$0x3] =	wrdreg s2  }
0xb0: {  	[dreg:$0x4] =	wrdreg $0x90000  }
0xb1: {  	[dreg:$0x5] =	wrdreg $0x9  }
0xb2: {  	_ =	task.clear_ibuf [dreg:s7], $0x6FFFF;
	_ =	strace $0x9000004C  }
0xb3: {  	s29 =	simm.s32 $0x9;
	_ =	strace $0x8000004E  }
0xb4: {  	_ =	swait.ge [sflag:s29], $0x1  }
0xb5: {  	[sflag:s29] =	ssyncadd.s32 $0xFFFFFFFF  }
0xb6: {  	_ =	strace $0x9000004E  }
0xb7: {  	_ =	sfence  }
0xb8: {  	s30 =	sld [smem:$0x0];
	_ =	sdelay $0x2  }
0xb9: {  	s31 =	sshll.u32 s1, $0xD;
	s1 =	sshrl.u32 s1, $0x2  }
0xba: {  	s3 =	sand.u32 $0x4000, s31;
	s1 =	sadd.s32 s1, s30  }
0xbb: {  	s0 =	sor.u32 s3, s0;
	s1 =	sshll.u32 s1, $0x11  }
0xbc: {  	s0 =	sor.u32 s1, s0  }
0xbd: {  	s0 =	sadd.s32 $0x8F2B, s0  }
0xbe: {  	[sflag:s0] =	ssyncadd.remote.s32 $0x1  }
0xbf: {  	_ =	sfence.sel $0xFFFF  }
0xc0: {  	[dreg:$0x0] =	wrdreg $0xFFFFFFFF;
	(pc) =	sbr.abs _section_cstart, $3  }
0xc1: {  	[dreg:$0x1] =	wrdreg $0xFFFFFFFF  }
0xc2: {  	_ =	task.clear_ibuf [dreg:s7], $0x2FFFF;
	_ =	strace $0x9FFFFFFF  }
0xc3: {  	(tm) =	ssettm $0x7FFFFFFF  }
tec
execute0_lowered:
.L_overlay_start_1:
0x0: {  	(tag) =	ssettag $0x1  }
0x1: {  	s5 =	rddreg [dreg:$0x0]  }
0x2: {  	s7 =	rddreg [dreg:$0x1]  }
0x3: {  	s0 =	srdreg.scid;
	s2 =	rddreg [dreg:$0x2]  }
0x4: {  	s3 =	simm.s32 $0x0;
	s6 =	sand.u32 $0x1, s0;
	s0 =	stileid.u32  }
0x5: {  	s15 =	simm.s32 $0x5000;
	s16 =	simm.s32 $0x1;
	s9 =	smul.u32 $0x2800, s0  }
0x6: {  	s17 =	simm.s32 $0x0;
	[smem:$0x7FF] =	sst s3;
	s10 =	smul.u32 $0x28000, s6  }
0x7: {  	s1 =	sshll.u32 s6, $0x4;
	s6 =	ssub.s32 $0x2, s6;
	s12 =	smul.u32 $0x50000, s0  }
0x8: {  	s31 =	sshll.u32 s0, $0x6;
	s4 =	sor.u32 s0, s1;
	s1 =	rddreg [dreg:$0x3]  }
0x9: {  	_ =	strace $0x8000004D;
	s30 =	sshrl.u32 s6, $0x1;
	s8 =	smul.u32 $0x500, s4  }
0xa: {  	s4 =	sadd.s32 $0xE800, s5;
	s13 =	sadd.s32 s9, s5;
	s9 =	sadd.s32 s9, s10  }
0xb: {  	s10 =	ssub.s32 s6, s30;
	s12 =	sshrl.u32 s12, $0x2;
	s9 =	sadd.s32 s9, s5  }
0xc: {  	s14 =	sadd.s32 s12, s2;
	s12 =	sor.u32 $0x1C02, s31;
	s11 =	sadd.s32 s8, s5  }
0xd: {  	s6 =	sadd.s32 s7, s8;
	s7 =	sadd.s32 $0x36800, s13;
	s8 =	sadd.s32 $0x5E800, s9  }
0xe: {  	s9 =	smax.u32 s10, $0x1;
	s10 =	simm.s32 $0x2;
	s13 =	sshrl.u32 s14, $0x3  }
0xf: {  	s14 =	simm.s32 $0x80;
	s5 =	sadd.s32 $0x4800, s11;
	s11 =	simm.s32 $0x2800  }
.LBB2_1:
0x10: {  	[tilespmem:s3], [sflag:$0x2] =	stream.linear.gather [hbm4b:s5+s3], $0x2780, $0x38;
	[tilespmem:$0x1D000] =	vst v63  }
0x11: {  	_ =	swait.ge [sflag:s10], $0x2780  }
0x12: {  	[sflag:s10] =	ssyncset.done $0x0  }
0x13: {  	[sflag:s10] =	ssyncadd.s32 $0xFFFFD880  }
0x14: {  	[tilespmem:s11], [sflag:$0x2] =	stream.linear.gather [hbm4b:s6+s3], $0x2780, $0x38;
	[tilespmem:$0x1D000] =	vst v63  }
0x15: {  	_ =	swait.ge [sflag:s10], $0x2780  }
0x16: {  	[sflag:s10] =	ssyncset.done $0x0  }
0x17: {  	[sflag:s10] =	ssyncadd.s32 $0xFFFFD880  }
0x18: {  	[spmem:s13], [sflag:s12] =	dma.local [hbm:s7], $0x2800  }
0x19: {  	_ =	swait.ge [sflag:s10], $0x2800  }
0x1a: {  	[sflag:s10] =	ssyncset.done $0x0  }
0x1b: {  	[sflag:s10] =	ssyncadd.s32 $0xFFFFD800  }
0x1c: {  	s18 =	simm.s32 $0x0;
	[bflag:$0x0] =	sbarrier.arrive $0xFFFF  }
0x1d: {  	[tilespmem:s15], [sflag:$0x1] =	stream.indirect.gather [hbm4b:s4+s14], $0x80, s18, s14, $0xb8;
	[tilespmem:$0x1D000] =	vst v63  }
0x1e: {  	_ =	swait.ge [sflag:s16], $0x4000  }
0x1f: {  	[sflag:s16] =	ssyncset.done $0x0  }
0x20: {  	s31 =	simm.s32 $0x2800;
	[sflag:s16] =	ssyncadd.s32 $0xFFFFC000  }
0x21: {  	[spmem:s2] =	stream.indirect.scatter.add.f32 [tilespmem:s15], [sflag:$0x2], $0x80, s31, s14, $0xb8;
	[tilespmem:$0x1D000] =	vst v63  }
0x22: {  	_ =	swait.ge [sflag:s10], $0x4000  }
0x23: {  	s19 =	simm.s32 $0x400;
	s18 =	simm.s32 $0x200;
	[sflag:s10] =	ssyncset.done $0x0  }
.LBB2_2:
0x24: {  	s20 =	sshra.s32 s18, $0x2  }
0x25: {  	[sflag:s10] =	ssyncadd.s32 $0xFFFFC000;
	s18 =	smov.u32 s19;
	s21 =	sadd.s32 $0x200, s19  }
0x26: {  	[tilespmem:s15], [sflag:$0x1] =	stream.indirect.gather [hbm4b:s4+s14], $0x80, s20, s14, $0xb8;
	[tilespmem:$0x1D000] =	vst v63  }
0x27: {  	p0 =	sne.s32 s19, $0x9C00;
	_ =	swait.ge [sflag:s16], $0x4000  }
.Ltmp0:
0x28: {  	[sflag:s16] =	ssyncset.done $0x0;
	(pc) =	sbr.rel @p0 .LBB2_2-.Ltmp0, $4  }
0x29: {  	s19 =	sadd.s32 $0x2800, s20;
	[sflag:s16] =	ssyncadd.s32 $0xFFFFC000  }
0x2a: {  	[spmem:s2] =	stream.indirect.scatter.add.f32 [tilespmem:s15], [sflag:$0x2], $0x80, s19, s14, $0xb8;
	[tilespmem:$0x1D000] =	vst v63  }
0x2b: {  	_ =	swait.ge [sflag:s10], $0x4000  }
0x2c: {  	s19 =	smov.u32 s21;
	[sflag:s10] =	ssyncset.done $0x0  }
0x2d: {  	s18 =	sshra.s32 s18, $0x2;
	[sflag:s10] =	ssyncadd.s32 $0xFFFFC000  }
0x2e: {  	[tilespmem:s15], [sflag:$0x1] =	stream.indirect.gather [hbm4b:s4+s14], $0x80, s18, s14, $0xb8;
	[tilespmem:$0x1D000] =	vst v63  }
0x2f: {  	_ =	swait.ge [sflag:s16], $0x4000  }
0x30: {  	[sflag:s16] =	ssyncset.done $0x0  }
0x31: {  	s18 =	sadd.s32 $0x2800, s18;
	[sflag:s16] =	ssyncadd.s32 $0xFFFFC000  }
0x32: {  	[spmem:s2] =	stream.indirect.scatter.add.f32 [tilespmem:s15], [sflag:$0x2], $0x80, s18, s14, $0xb8;
	[tilespmem:$0x1D000] =	vst v63  }
0x33: {  	_ =	swait.ge [sflag:s10], $0x4000  }
0x34: {  	s17 =	sadd.s32 $0x1, s17;
	[sflag:s10] =	ssyncset.done $0x0  }
0x35: {  	p0 =	sne.s32 s17, s9;
	[sflag:s10] =	ssyncadd.s32 $0xFFFFC000  }
.Ltmp1:
0x36: {  	[bflag:$0x0] =	sbarrier.arrive $0xFFFF;
	(pc) =	sbr.rel @p0 .LBB2_1-.Ltmp1, $4  }
0x37: {  	[hbm:s8], [sflag:s12] =	dma.local [spmem:s13], $0x2800  }
0x38: {  	_ =	swait.ge [sflag:s10], $0x2800  }
0x39: {  	[sflag:s10] =	ssyncset.done $0x0  }
0x3a: {  	[sflag:s10] =	ssyncadd.s32 $0xFFFFD800  }
0x3b: {  	_ =	sfence.sel $0x180000  }
0x3c: {  	[bflag:$0x0] =	sbarrier.arrive $0xFFFF  }
0x3d: {  	p0 =	sne.s32 s0, $0x0;
	_ =	strace $0x9000004D  }
0x3e: {  	s0 =	sadd.s32 @!p0 $0x100000, s1;
	[bflag:$0x2] =	sbarrier.arrive $0xFFFF  }
0x3f: {  	[sflag:s0] =	ssyncadd.tile.s32 @!p0 $0x1;
	_ =	shalt  }
.Lfunc_end2:
_tile_overlayer_lowered:
.L_overlay_start_2:
0x40: {  	(tag) =	ssettag $0x2  }
0x41: {  	s0 =	rddreg [dreg:$0x0];
	s2 =	stileid.u32  }
0x42: {  	s1 =	rddreg [dreg:$0x1];
	p0 =	sne.s32 s2, $0x0  }
0x43: {  	s3 =	rddreg [dreg:$0x2];
	[bflag:$0x3] =	sbarrier.arrive $0xFFFF;
	s2 =	simm.s32 @!p0 $0x1C02  }
0x44: {  	[timem:s3], [sflag:s2] =	dma.local @!p0 [hbm:s0], s1  }
0x45: {  	s0 =	simm.s32 @!p0 $0x2  }
0x46: {  	_ =	swait.ge @!p0 [sflag:s0], s1  }
0x47: {  	s1 =	ssub.s32 @!p0 $0x0, s1;
	[sflag:s0] =	ssyncset.done @!p0 $0x0  }
0x48: {  	[sflag:s0] =	ssyncadd.s32 @!p0 s1  }
0x49: {  	[bflag:$0x3] =	sbarrier.arrive $0xFFFF  }
0x4a: {  	_ =	shalt  }

// kernel: kernel.8.cloned.1.call-start
scs
__scs_entry_jumppad:
0x0: {  	(pc) =	sbr.rel $0x88, $3  }
0x1: {  	(tag) =	ssettag $0x0;
	lr =	simm.s32 $0x1  }
0x2: {  	[smem:$0x3F95] =	sst lr;
	_ =	strace $0xD0000000  }
0x3: {  	_ = 	snop  }
0x4: {  	_ = 	snop  }
0x5: {  	_ = 	snop  }
0x6: {  	_ = 	snop  }
0x7: {  	_ = 	snop  }
__scs_overlays_trampoline_lowered:
0x8: {  	[smem:$0x3FA4] =	sst s0  }
0x9: {  	[smem:$0x3FA5] =	sst s1  }
0xa: {  	[smem:$0x3FA6] =	sst s2  }
0xb: {  	[smem:$0x3FA7] =	sst s3  }
0xc: {  	[smem:$0x3FA8] =	sst s4  }
0xd: {  	[smem:$0x3FA9] =	sst s5  }
0xe: {  	[smem:$0x3FAA] =	sst s6  }
0xf: {  	[smem:$0x3FAB] =	sst s7  }
0x10: {  	[smem:$0x3FAC] =	sst s8  }
0x11: {  	[smem:$0x3FAD] =	sst s9;
	s0 =	simm.s32 @!p0 $0x0  }
0x12: {  	s1 =	sld [smem:$0x3F93];
	s0 =	simm.s32 @p0 $0x1  }
0x13: {  	[smem:$0x3FAE] =	sst s0;
	s0 =	simm.s32 @!p1 $0x0  }
0x14: {  	s2 =	sld [smem:$0x3F92];
	s0 =	simm.s32 @p1 $0x1  }
0x15: {  	[smem:$0x3FAF] =	sst s0;
	s0 =	simm.s32 @!p2 $0x0  }
0x16: {  	s3 =	sld [smem:$0x3FDB];
	s0 =	simm.s32 @p2 $0x1  }
0x17: {  	s4 =	simm.s32 $0x1BF5;
	[smem:$0x3FB1] =	sst s0  }
0x18: {  	s0 =	sld [smem:$0x3F94];
	_ =	swait.ge [sflag:s4], $0x0  }
0x19: {  	s7 =	sld [smem:$0x3F95]  }
0x1a: {  	s8 =	sadd.s32 $0xFFFFE003, lr  }
0x1b: {  	s9 =	sadd.s32 $0xFFFFFEF7, lr;
	s5 =	simm.s32 $0xFFFFFFFF;
	p2 =	slt.u32 s8, $0xFFFFF086  }
0x1c: {  	p1 =	slt.u32 s9, $0xF7A;
	s5 =	simm.s32 @!p2 $0x0  }
0x1d: {  	s5 =	simm.s32 @p1 $0x1;
	p0 =	seq.s32 s7, s2  }
0x1e: {  	s7 =	smul.u32 @!p0 $0xF7A, s2;
	p2 =	seq.s32 @!p0 s5, $0x0  }
0x1f: {  	s9 =	smul.u32 $0xF7A, s1;
	s8 =	simm.s32 @!p0 $0x1BF5;
	p2 =	por !p2, p0  }
0x20: {  	[sflag:s8] =	ssyncset.s32 @!p0 $0xFFFFF086;
	s6 =	sadd.s32 @!p0 s3, s7;
	s7 =	simm.s32 @!p0 $0x108  }
0x21: {  	s3 =	sadd.s32 s3, s9;
	s6 =	sadd.s32 @!p0 $0x88, s6;
	s7 =	simm.s32 @p2 $0x1082  }
0x22: {  	[simem:s7], [sflag:s8] =	dma.local @!p0 [hbm:s6], $0xF7A  }
0x23: {  	s9 =	sor.u32 $0xD0000000, s2;
	s6 =	simm.s32 $0x108;
	_ =	swait.ge @!p0 [sflag:s8], $0x0  }
0x24: {  	s3 =	sadd.s32 $0x88, s3;
	s6 =	simm.s32 @!p1 $0x1082;
	[sflag:s4] =	ssyncset.s32 $0xFFFFF086  }
0x25: {  	[simem:s6], [sflag:s4] =	dma.local [hbm:s3], $0xF7A  }
0x26: {  	[smem:$0x3F95] =	sst s1;
	(tag) =	ssettag s2;
	_ =	strace s9  }
0x27: {  	s1 =	sld [smem:$0x3FA5]  }
0x28: {  	s2 =	sld [smem:$0x3FA6]  }
0x29: {  	s4 =	sld [smem:$0x3FA8]  }
0x2a: {  	p0 =	seq.s32 s5, $0x0;
	s5 =	sld [smem:$0x3FA9]  }
0x2b: {  	s6 =	sld [smem:$0x3FAA]  }
0x2c: {  	s7 =	sld [smem:$0x3FAB]  }
0x2d: {  	s3 =	simm.s32 $0x108;
	s8 =	sld [smem:$0x3FAC]  }
0x2e: {  	s3 =	simm.s32 @!p0 $0x1082;
	s9 =	sld [smem:$0x3FAD]  }
0x2f: {  	lr =	sadd.s32 s0, s3;
	s0 =	sld [smem:$0x3FA4]  }
0x30: {  	s3 =	sld [smem:$0x3FA7]  }
0x31: {  	[smem:$0x3FB0] =	sst s10  }
0x32: {  	s10 =	sld [smem:$0x3FAE];
	_ =	sdelay $0x3  }
0x33: {  	p0 =	seq.s32 s10, $0x1;
	s10 =	sld [smem:$0x3FB0];
	_ =	sdelay $0x3  }
0x34: {  	[smem:$0x3FB0] =	sst s10  }
0x35: {  	s10 =	sld [smem:$0x3FAF];
	_ =	sdelay $0x3  }
0x36: {  	p1 =	seq.s32 s10, $0x1;
	s10 =	sld [smem:$0x3FB0];
	_ =	sdelay $0x3  }
0x37: {  	[smem:$0x3FB0] =	sst s10  }
0x38: {  	s10 =	sld [smem:$0x3FB1]  }
0x39: {  	_ = 	snop;
	(pc) =	sbr.ind lr, $3  }
0x3a: {  	_ = 	snop  }
0x3b: {  	_ = 	snop  }
0x3c: {  	p2 =	seq.s32 s10, $0x1;
	s10 =	sld [smem:$0x3FB0]  }
0x3d: {  	_ =	shalt  }
0x3e: {  	_ =	shalt  }
0x3f: {  	_ =	shalt  }
0x40: {  	_ =	shalt  }
0x41: {  	_ =	shalt  }
0x42: {  	_ =	shalt  }
0x43: {  	_ =	shalt  }
0x44: {  	_ =	shalt  }
0x45: {  	_ =	shalt  }
0x46: {  	_ =	shalt  }
0x47: {  	_ =	shalt  }
0x48: {  	_ =	shalt  }
0x49: {  	_ =	shalt  }
0x4a: {  	_ =	shalt  }
0x4b: {  	_ =	shalt  }
0x4c: {  	_ =	shalt  }
0x4d: {  	_ =	shalt  }
0x4e: {  	_ =	shalt  }
0x4f: {  	_ =	shalt  }
0x50: {  	_ =	shalt  }
0x51: {  	_ =	shalt  }
0x52: {  	_ =	shalt  }
0x53: {  	_ =	shalt  }
0x54: {  	_ =	shalt  }
0x55: {  	_ =	shalt  }
0x56: {  	_ =	shalt  }
0x57: {  	_ =	shalt  }
0x58: {  	_ =	shalt  }
0x59: {  	_ =	shalt  }
0x5a: {  	_ =	shalt  }
0x5b: {  	_ =	shalt  }
0x5c: {  	_ =	shalt  }
0x5d: {  	_ =	shalt  }
0x5e: {  	_ =	shalt  }
0x5f: {  	_ =	shalt  }
0x60: {  	_ =	shalt  }
0x61: {  	_ =	shalt  }
0x62: {  	_ =	shalt  }
0x63: {  	_ =	shalt  }
0x64: {  	_ =	shalt  }
0x65: {  	_ =	shalt  }
0x66: {  	_ =	shalt  }
0x67: {  	_ =	shalt  }
0x68: {  	_ =	shalt  }
0x69: {  	_ =	shalt  }
0x6a: {  	_ =	shalt  }
0x6b: {  	_ =	shalt  }
0x6c: {  	_ =	shalt  }
0x6d: {  	_ =	shalt  }
0x6e: {  	_ =	shalt  }
0x6f: {  	_ =	shalt  }
0x70: {  	_ =	shalt  }
0x71: {  	_ =	shalt  }
0x72: {  	_ =	shalt  }
0x73: {  	_ =	shalt  }
0x74: {  	_ =	shalt  }
0x75: {  	_ =	shalt  }
0x76: {  	_ =	shalt  }
0x77: {  	_ =	shalt  }
0x78: {  	_ =	shalt  }
0x79: {  	_ =	shalt  }
0x7a: {  	_ =	shalt  }
0x7b: {  	_ =	shalt  }
0x7c: {  	_ =	shalt  }
0x7d: {  	_ =	shalt  }
0x7e: {  	_ =	shalt  }
0x7f: {  	_ =	shalt  }
0x80: {  	_ =	shalt  }
0x81: {  	_ =	shalt  }
0x82: {  	_ =	shalt  }
0x83: {  	_ =	shalt  }
0x84: {  	_ =	shalt  }
0x85: {  	_ =	shalt  }
0x86: {  	_ =	shalt  }
0x87: {  	_ =	shalt  }
.Lfunc_end0:
.L_simem_size_0:
called_computation_lowered:
.L_overlay_start_0:
0x88: {  	s2 =	sld [smem:$0x3FD9]  }
0x89: {  	s3 =	sld [smem:$0x3FFE];
	_ =	sdelay $0x1  }
0x8a: {  	s1 =	srdreg.scid  }
0x8b: {  	s0 =	sand.u32 $0x1, s1  }
0x8c: {  	s17 =	sshll.u32 s0, $0xA;
	s2 =	sadd.s32 s3, s2  }
0x8d: {  	s2 =	sadd.s32 s2, s17  }
0x8e: {  	[smem:$0x3FBC] =	sst s2  }
0x8f: {  	_ = 	snop  }
0x90: {  	s2 =	sld [smem:$0x3FD0];
	(tm) =	ssettm $0x1  }
0x91: {  	s18 =	sld [smem:$0x3FFB];
	_ =	sdelay $0x3  }
0x92: {  	_ =	strace s18  }
0x93: {  	s3 =	sld [smem:$0x3FFC];
	_ =	sdelay $0x3  }
0x94: {  	_ =	strace s3  }
0x95: {  	s3 =	sld [smem:$0x3FFD];
	_ =	sdelay $0x3  }
0x96: {  	_ =	strace s3  }
0x97: {  	_ =	strace $0x8FFFFFFF  }
0x98: {  	s19 =	sld [smem:$0x3FDB];
	_ =	sdelay $0x1  }
0x99: {  	s4 =	simm.s32 $_scs_section_size  }
0x9a: {  	s5 =	simm.s32 $_size__tile_overlayer_lowered;
	s6 =	simm.s32 $_tile_overlayer_lowered  }
0x9b: {  	s22 =	simm.s32 $0x1BFF;
	s21 =	sshll.u32 s6, $0x1;
	s3 =	sadd.s32 s4, s19  }
0x9c: {  	s7 =	simm.s32 $0x0;
	s20 =	sshll.u32 s5, $0x1;
	s5 =	sadd.s32 s21, s3  }
0x9d: {  	[timem:s7], [sflag:s22] =	dma.local [hbm:s5], s20  }
0x9e: {  	_ =	swait.ge [sflag:s22], s20  }
0x9f: {  	s4 =	ssub.s32 $0x0, s20;
	[sflag:s22] =	ssyncset.done $0x0  }
0xa0: {  	[sflag:s22] =	ssyncadd.s32 s4;
	_ =	sdelay $0x1  }
0xa1: {  	s23 =	simm.s32 $0x1B8B  }
0xa2: {  	_ =	swait.ge [sflag:s23], $0x1  }
0xa3: {  	[sflag:s23] =	ssyncset.done $0x0  }
0xa4: {  	s25 =	simm.s32 $0x1B8E;
	s24 =	sld [smem:$0x3FFE];
	[sflag:s23] =	ssyncadd.s32 $0xFFFFFFFF  }
0xa5: {  	s26 =	simm.s32 $execute0_lowered;
	[smem:$0x3FD2] =	sst s25  }
0xa6: {  	s5 =	sshll.u32 s26, $0x1;
	_ =	strace $0x80000046;
	[dreg:$0x1] =	wrdreg $0xFFFFFFFF  }
0xa7: {  	s28 =	simm.s32 $_size_execute0_lowered;
	s3 =	sadd.s32 s3, s5;
	[dreg:$0x0] =	wrdreg $0x0  }
0xa8: {  	s5 =	sshll.u32 s28, $0x1;
	[dreg:$0x2] =	wrdreg s3  }
0xa9: {  	[dreg:$0x3] =	wrdreg s5  }
0xaa: {  	[dreg:$0x4] =	wrdreg $0xC0  }
0xab: {  	_ =	task [dreg:s7], $0x5FFFF  }
0xac: {  	[dreg:$0x1] =	wrdreg $0xFFFFFFFF  }
0xad: {  	[dreg:$0x0] =	wrdreg $0x60  }
0xae: {  	[dreg:$0x2] =	wrdreg s2  }
0xaf: {  	[dreg:$0x3] =	wrdreg s24  }
0xb0: {  	[dreg:$0x4] =	wrdreg $0x28800  }
0xb1: {  	[dreg:$0x5] =	wrdreg $0x9  }
0xb2: {  	_ =	task.clear_ibuf [dreg:s7], $0x6FFFF;
	_ =	strace $0x90000046  }
0xb3: {  	s29 =	simm.s32 $0x9;
	_ =	strace $0x80000048  }
0xb4: {  	_ =	swait.ge [sflag:s29], $0x1  }
0xb5: {  	[sflag:s29] =	ssyncadd.s32 $0xFFFFFFFF  }
0xb6: {  	_ =	strace $0x90000048  }
0xb7: {  	_ =	sfence  }
0xb8: {  	s30 =	sld [smem:$0x0];
	_ =	sdelay $0x2  }
0xb9: {  	s31 =	sshll.u32 s1, $0xD;
	s1 =	sshrl.u32 s1, $0x2  }
0xba: {  	s3 =	sand.u32 $0x4000, s31;
	s1 =	sadd.s32 s1, s30  }
0xbb: {  	s0 =	sor.u32 s3, s0;
	s1 =	sshll.u32 s1, $0x11  }
0xbc: {  	s0 =	sor.u32 s1, s0  }
0xbd: {  	s0 =	sadd.s32 $0x8F2B, s0  }
0xbe: {  	[sflag:s0] =	ssyncadd.remote.s32 $0x1  }
0xbf: {  	_ =	sfence.sel $0xFFFF  }
0xc0: {  	[dreg:$0x0] =	wrdreg $0xFFFFFFFF;
	(pc) =	sbr.abs _section_cstart, $3  }
0xc1: {  	[dreg:$0x1] =	wrdreg $0xFFFFFFFF  }
0xc2: {  	_ =	task.clear_ibuf [dreg:s7], $0x2FFFF;
	_ =	strace $0x9FFFFFFF  }
0xc3: {  	(tm) =	ssettm $0x7FFFFFFF  }
tec
execute0_lowered:
.L_overlay_start_1:
0x0: {  	(tag) =	ssettag $0x1  }
0x1: {  	s5 =	rddreg [dreg:$0x0]  }
0x2: {  	s6 =	rddreg [dreg:$0x1]  }
0x3: {  	s2 =	rddreg [dreg:$0x2]  }
0x4: {  	s0 =	rddreg [dreg:$0x3];
	s3 =	simm.s32 $0x0;
	s1 =	stileid.u32  }
0x5: {  	s4 =	srdreg.scid;
	s13 =	simm.s32 $0x80;
	s14 =	simm.s32 $0x0  }
0x6: {  	[smem:$0x7FF] =	sst s3;
	s7 =	smul.u32 $0x280, s1;
	s8 =	sand.u32 $0x1, s4  }
0x7: {  	s4 =	sadd.s32 $0x3C00, s6;
	s31 =	sshll.u32 s1, $0x6;
	_ =	strace $0x80000047  }
0x8: {  	s9 =	smul.u32 $0x2800, s8;
	s11 =	sshll.u32 s8, $0x4;
	s8 =	ssub.s32 $0x2, s8  }
0x9: {  	s10 =	sshrl.u32 s7, $0x3;
	s11 =	sor.u32 s1, s11;
	s12 =	sshrl.u32 s8, $0x1  }
0xa: {  	s30 =	sadd.s32 s7, s2;
	s9 =	sadd.s32 s7, s9;
	s11 =	smul.u32 $0x500, s11  }
0xb: {  	s10 =	sadd.s32 s10, s6;
	s8 =	ssub.s32 s8, s12;
	s9 =	sshrl.u32 s9, $0x3  }
0xc: {  	s12 =	sshrl.u32 s30, $0x3;
	s8 =	smax.u32 s8, $0x1;
	s9 =	sadd.s32 s9, s6  }
0xd: {  	s5 =	sadd.s32 s5, s11;
	s6 =	sadd.s32 $0x3600, s10;
	s10 =	simm.s32 $0x2800  }
0xe: {  	s11 =	sor.u32 $0x1C01, s31;
	s7 =	sadd.s32 $0x3E00, s9;
	s9 =	simm.s32 $0x1  }
.LBB2_1:
0xf: {  	[tilespmem:s3], [sflag:$0x1] =	stream.linear.gather [hbm4b:s5+s3], $0x2780, $0x38;
	[tilespmem:$0x2B00] =	vst v63  }
0x10: {  	_ =	swait.ge [sflag:s9], $0x2780  }
0x11: {  	[sflag:s9] =	ssyncset.done $0x0  }
0x12: {  	[sflag:s9] =	ssyncadd.s32 $0xFFFFD880  }
0x13: {  	[tilespmem:s10], [sflag:$0x1] =	stream.linear.gather [hbm4b:s4+s3], $0x80, $0x38;
	[tilespmem:$0x2B00] =	vst v63  }
0x14: {  	_ =	swait.ge [sflag:s9], $0x80  }
0x15: {  	[sflag:s9] =	ssyncset.done $0x0  }
0x16: {  	[sflag:s9] =	ssyncadd.s32 $0xFFFFFF80  }
0x17: {  	[spmem:s12], [sflag:s11] =	dma.local [hbm:s6], $0x50  }
0x18: {  	_ =	swait.ge [sflag:s9], $0x50  }
0x19: {  	[sflag:s9] =	ssyncset.done $0x0  }
0x1a: {  	[sflag:s9] =	ssyncadd.s32 $0xFFFFFFB0  }
0x1b: {  	s15 =	simm.s32 $0x0;
	[bflag:$0x0] =	sbarrier.arrive $0xFFFF  }
0x1c: {  	[spmem:s2] =	stream.indirect.scatter.add.f32 [tilespmem:s10], [sflag:$0x1], $0x1, s15, s13, $0xb8;
	[tilespmem:$0x2B00] =	vst v63  }
0x1d: {  	_ =	swait.ge [sflag:s9], $0x80  }
0x1e: {  	s15 =	simm.s32 $0x200;
	[sflag:s9] =	ssyncset.done $0x0  }
.LBB2_2:
0x1f: {  	s16 =	sshra.s32 s15, $0x2;
	[sflag:s9] =	ssyncadd.s32 $0xFFFFFF80;
	p0 =	sne.s32 s15, $0x9C00  }
0x20: {  	[spmem:s2] =	stream.indirect.scatter.add.f32 [tilespmem:s10], [sflag:$0x1], $0x1, s16, s13, $0xb8;
	[tilespmem:$0x2B00] =	vst v63  }
.Ltmp0:
0x21: {  	_ = 	snop;
	(pc) =	sbr.rel @p0 .LBB2_2-.Ltmp0, $4  }
0x22: {  	_ = 	snop  }
0x23: {  	s15 =	sadd.s32 $0x200, s15  }
0x24: {  	_ =	swait.ge [sflag:s9], $0x80  }
0x25: {  	[sflag:s9] =	ssyncset.done $0x0  }
0x26: {  	s14 =	sadd.s32 $0x1, s14  }
0x27: {  	[sflag:s9] =	ssyncadd.s32 $0xFFFFFF80;
	p0 =	sne.s32 s14, s8  }
.Ltmp1:
0x28: {  	[bflag:$0x0] =	sbarrier.arrive $0xFFFF;
	(pc) =	sbr.rel @p0 .LBB2_1-.Ltmp1, $4  }
0x29: {  	[hbm:s7], [sflag:s11] =	dma.local [spmem:s12], $0x50  }
0x2a: {  	_ =	swait.ge [sflag:s9], $0x50  }
0x2b: {  	[sflag:s9] =	ssyncset.done $0x0  }
0x2c: {  	[sflag:s9] =	ssyncadd.s32 $0xFFFFFFB0  }
0x2d: {  	_ =	sfence.sel $0x180000  }
0x2e: {  	[bflag:$0x0] =	sbarrier.arrive $0xFFFF  }
0x2f: {  	p0 =	sne.s32 s1, $0x0;
	_ =	strace $0x90000047  }
0x30: {  	s0 =	sadd.s32 @!p0 $0x100000, s0;
	[bflag:$0x2] =	sbarrier.arrive $0xFFFF  }
0x31: {  	[sflag:s0] =	ssyncadd.tile.s32 @!p0 $0x1;
	_ =	shalt  }
.Lfunc_end2:
_tile_overlayer_lowered:
.L_overlay_start_2:
0x32: {  	(tag) =	ssettag $0x2  }
0x33: {  	s0 =	rddreg [dreg:$0x0];
	s2 =	stileid.u32  }
0x34: {  	s1 =	rddreg [dreg:$0x1];
	p0 =	sne.s32 s2, $0x0  }
0x35: {  	s3 =	rddreg [dreg:$0x2];
	[bflag:$0x3] =	sbarrier.arrive $0xFFFF;
	s2 =	simm.s32 @!p0 $0x1C01  }
0x36: {  	[timem:s3], [sflag:s2] =	dma.local @!p0 [hbm:s0], s1  }
0x37: {  	s0 =	simm.s32 @!p0 $0x1  }
0x38: {  	_ =	swait.ge @!p0 [sflag:s0], s1  }
0x39: {  	s1 =	ssub.s32 @!p0 $0x0, s1;
	[sflag:s0] =	ssyncset.done @!p0 $0x0  }
0x3a: {  	[sflag:s0] =	ssyncadd.s32 @!p0 s1  }
0x3b: {  	[bflag:$0x3] =	sbarrier.arrive $0xFFFF  }
0x3c: {  	_ =	shalt  }

</sc_bundles>
